<compile_context>
chip_gen: v7x
topology: tpu7x:2x2x1
jax: 0.10.2.dev20260603
libtpu: 0.0.44.dev20260713+nightly
codegen_flags: <defaults>
</compile_context>

<pallas_src>
import functools

import jax
import jax.numpy as jnp
from jax import lax
from jax.experimental import pallas as pl
from jax.experimental.pallas import tpu as pltpu
from jax.experimental.pallas import tpu_sc as plsc

N = 1048576
NC = 2
NS = 16
NW = NC * NS
L = 16
CH = N // NW
BLK = 8192

_mesh = plsc.VectorSubcoreMesh(
    core_axis_name="c", subcore_axis_name="s", num_cores=NC, num_subcores=NS
)


@functools.partial(
    pl.kernel,
    out_type=(
        jax.ShapeDtypeStruct((N,), jnp.float32),
        jax.ShapeDtypeStruct((N,), jnp.float32),
        jax.ShapeDtypeStruct((NW, L), jnp.int32),
    ),
    mesh=_mesh,
    scratch_types=[
        pltpu.VMEM((BLK,), jnp.float32),
        pltpu.VMEM((BLK,), jnp.int32),
        pltpu.VMEM((BLK,), jnp.float32),
        pltpu.VMEM((BLK,), jnp.float32),
        pltpu.VMEM((L,), jnp.int32),
    ],
)
def _mask_split(y_hbm, s_hbm, out0_hbm, out1_hbm, cnt_hbm, yv, sv, o0v, o1v, cv):
    wid = lax.axis_index("s") * NC + lax.axis_index("c")
    base = wid * CH
    inf16 = jnp.full((L,), jnp.inf, dtype=jnp.float32)

    def blk(b, cnt):
        off = base + b * BLK
        pltpu.sync_copy(y_hbm.at[pl.ds(off, BLK)], yv)
        pltpu.sync_copy(s_hbm.at[pl.ds(off, BLK)], sv)

        def body(k, c):
            y16 = yv[pl.ds(k * L, L)]
            s16 = sv[pl.ds(k * L, L)]
            m0 = s16 == 0
            o0v[pl.ds(k * L, L)] = jnp.where(m0, y16, inf16)
            o1v[pl.ds(k * L, L)] = jnp.where(m0, inf16, y16)
            return c + jnp.where(m0, 1, 0).astype(jnp.int32)

        cnt = lax.fori_loop(0, BLK // L, body, cnt)
        pltpu.sync_copy(o0v, out0_hbm.at[pl.ds(off, BLK)])
        pltpu.sync_copy(o1v, out1_hbm.at[pl.ds(off, BLK)])
        return cnt

    cnt = lax.fori_loop(0, CH // BLK, blk, jnp.zeros((L,), jnp.int32))
    cv[...] = cnt
    pltpu.sync_copy(cv, cnt_hbm.at[wid])


@functools.partial(
    pl.kernel,
    out_type=jax.ShapeDtypeStruct((NW, L), jnp.float32),
    mesh=_mesh,
    scratch_types=[
        pltpu.VMEM((BLK,), jnp.float32),
        pltpu.VMEM((BLK,), jnp.float32),
        pltpu.VMEM((BLK,), jnp.float32),
        pltpu.VMEM((BLK,), jnp.float32),
        pltpu.VMEM((L,), jnp.float32),
        pltpu.VMEM((L,), jnp.float32),
        pltpu.VMEM((L,), jnp.int32),
        pltpu.VMEM((L,), jnp.int32),
        pltpu.VMEM((L,), jnp.int32),
        pltpu.VMEM((L,), jnp.float32),
    ],
)
def _lerp_diff(
    a0_hbm, b0_hbm, a1_hbm, b1_hbm, r0_hbm, r1_hbm, l0_hbm, l1_hbm, m_hbm,
    out_hbm,
    a0v, b0v, a1v, b1v, r0v, r1v, l0v, l1v, mv, accv,
):
    wid = lax.axis_index("s") * NC + lax.axis_index("c")
    base = wid * CH

    pltpu.sync_copy(r0_hbm, r0v)
    pltpu.sync_copy(r1_hbm, r1v)
    pltpu.sync_copy(l0_hbm, l0v)
    pltpu.sync_copy(l1_hbm, l1v)
    pltpu.sync_copy(m_hbm, mv)
    r0 = r0v[...]
    r1 = r1v[...]
    lnm1_0 = l0v[...]
    lnm1_1 = l1v[...]
    m = mv[...]

    iota = lax.iota(jnp.int32, L)
    zero = jnp.zeros((L,), jnp.int32)

    def blk(b, acc0):
        off = base + b * BLK
        pltpu.sync_copy(a0_hbm.at[pl.ds(off, BLK)], a0v)
        pltpu.sync_copy(b0_hbm.at[pl.ds(off, BLK)], b0v)
        pltpu.sync_copy(a1_hbm.at[pl.ds(off, BLK)], a1v)
        pltpu.sync_copy(b1_hbm.at[pl.ds(off, BLK)], b1v)

        def body(k, acc):
            i16 = off + k * L + iota
            fi = i16.astype(jnp.float32)
            pos0 = fi * r0
            pos1 = fi * r1
            lo0 = jnp.minimum(jnp.maximum(pos0.astype(jnp.int32), zero), lnm1_0)
            lo1 = jnp.minimum(jnp.maximum(pos1.astype(jnp.int32), zero), lnm1_1)
            w0 = pos0 - lo0.astype(jnp.float32)
            w1 = pos1 - lo1.astype(jnp.float32)
            a0 = a0v[pl.ds(k * L, L)]
            b0 = b0v[pl.ds(k * L, L)]
            a1 = a1v[pl.ds(k * L, L)]
            b1 = b1v[pl.ds(k * L, L)]
            v0 = a0 * (1.0 - w0) + b0 * w0
            v1 = a1 * (1.0 - w1) + b1 * w1
            d = jnp.abs(v0 - v1)
            d = jnp.where(i16 < m, d, jnp.float32(0.0))
            return acc + d

        return lax.fori_loop(0, BLK // L, body, acc0)

    acc = lax.fori_loop(0, CH // BLK, blk, jnp.zeros((L,), jnp.float32))
    accv[...] = acc
    pltpu.sync_copy(accv, out_hbm.at[wid])


def kernel(y_pred, s, y_gt, pct_a, pct_b):
    s = s.astype(jnp.int32)
    masked0, masked1, counts = _mask_split(y_pred, s)
    n0 = jnp.sum(counts).astype(jnp.int32)
    n1 = jnp.int32(N) - n0

    sorted0 = jnp.sort(masked0)
    sorted1 = jnp.sort(masked1)

    pa = jnp.asarray(pct_a, jnp.int32)
    pb = jnp.asarray(pct_b, jnp.int32)
    len0 = pb * n0 - pa * n0
    len1 = pb * n1 - pa * n1
    off0 = pa * n0
    off1 = pa * n1
    m = jnp.maximum(len0, len1)
    denom = jnp.maximum(m - 1, 1).astype(jnp.float32)
    r0 = (len0 - 1).astype(jnp.float32) / denom
    r1 = (len1 - 1).astype(jnp.float32) / denom

    ar = jnp.arange(N, dtype=jnp.int32)
    fi = ar.astype(jnp.float32)
    lo0 = jnp.clip(jnp.floor(fi * r0).astype(jnp.int32), 0, len0 - 1)
    lo1 = jnp.clip(jnp.floor(fi * r1).astype(jnp.int32), 0, len1 - 1)
    hi0 = jnp.clip(lo0 + 1, 0, len0 - 1)
    hi1 = jnp.clip(lo1 + 1, 0, len1 - 1)
    a0 = sorted0[jnp.clip(off0 + lo0, 0, N - 1)]
    b0 = sorted0[jnp.clip(off0 + hi0, 0, N - 1)]
    a1 = sorted1[jnp.clip(off1 + lo1, 0, N - 1)]
    b1 = sorted1[jnp.clip(off1 + hi1, 0, N - 1)]

    def splat_f(x):
        return jnp.full((L,), 1.0, jnp.float32) * x.astype(jnp.float32)

    def splat_i(x):
        return jnp.full((L,), 1, jnp.int32) * x.astype(jnp.int32)

    partials = _lerp_diff(
        a0, b0, a1, b1,
        splat_f(r0), splat_f(r1),
        splat_i(len0 - 1), splat_i(len1 - 1), splat_i(m),
    )
    reg_loss = jnp.sum(partials)

    z = jnp.zeros((1,), dtype=jnp.float32)
    return (reg_loss, z, z, z)

# --- scband reference (transcript-rebuilt; emitter-appended) ---
"""Pipeline reference for scband-diff-abs-reg-25933012533649 (READ-ONLY COPY).

The authoritative reference and input builder live on the scoring server;
editing this copy changes nothing except your own understanding.
"""

import jax, jax.numpy as jnp
import numpy as np


def _interp_linear_align_corners(x, in_len, out_len):
    n = int(x.shape[0])
    ratio = (in_len - 1).astype(jnp.float32) / jnp.maximum(out_len - 1, 1).astype(jnp.float32)
    pos = jnp.arange(n, dtype=jnp.float32) * ratio
    lo = jnp.clip(jnp.floor(pos).astype(jnp.int32), 0, in_len - 1)
    hi = jnp.clip(lo + 1, 0, in_len - 1)
    w = pos - lo.astype(jnp.float32)
    interp = x[lo] * (1.0 - w) + x[hi] * w
    return jnp.where(in_len == out_len, x, interp)


def _diff_abs(y0, len_y0, y1, len_y1):
    n = int(y0.shape[0])
    max_len = jnp.maximum(len_y0, len_y1)
    sorted_y0 = jnp.sort(y0)
    sorted_y1 = jnp.sort(y1)
    i0 = _interp_linear_align_corners(sorted_y0, len_y0, max_len)
    i1 = _interp_linear_align_corners(sorted_y1, len_y1, max_len)
    s0 = jnp.where(len_y0 < max_len, i0, sorted_y0)
    s1 = jnp.where(len_y1 < max_len, i1, sorted_y1)
    diff = s0 - s1
    valid = jnp.arange(n) < max_len
    return jnp.sum(jnp.where(valid, jnp.abs(diff), jnp.float32(0.0)))


def setup_inputs(seed: int = 0) -> dict:
    key = jax.random.key(seed)
    k1, k2, k3 = jax.random.split(key, 3)
    N = 1048576
    y_pred = jax.random.normal(k1, (N,), dtype=jnp.float32)
    s = jax.random.randint(k2, (N,), 0, 2)
    y_gt = jax.random.normal(k3, (N,), dtype=jnp.float32)
    return {"y_pred": y_pred, "s": s, "y_gt": y_gt, "pct_a": 0, "pct_b": 1}


def reference(y_pred, s, y_gt, pct_a, pct_b):
    # split by protected attribute (s is a constant index set)
    N = int(y_pred.shape[0])
    mask0 = s == 0
    mask1 = s == 1
    len_y0 = jnp.sum(mask0).astype(jnp.int32)
    len_y1 = jnp.sum(mask1).astype(jnp.int32)
    # group-sorted values occupy the first len_y* slots; +inf padding after
    sorted_y0 = jnp.sort(jnp.where(mask0, y_pred, jnp.inf))
    sorted_y1 = jnp.sort(jnp.where(mask1, y_pred, jnp.inf))
    # local_reg=True, threshold_based=False path: percentile index slicing
    index_a_0 = pct_a * len_y0
    index_b_0 = pct_b * len_y0
    index_a_1 = pct_a * len_y1
    index_b_1 = pct_b * len_y1
    len0 = index_b_0 - index_a_0
    len1 = index_b_1 - index_a_1
    ar = jnp.arange(N)
    y0s = jnp.where(ar < len0, sorted_y0[jnp.clip(index_a_0 + ar, 0, N - 1)], jnp.inf)
    y1s = jnp.where(ar < len1, sorted_y1[jnp.clip(index_a_1 + ar, 0, N - 1)], jnp.inf)
    reg_loss = _diff_abs(y0s, len0, y1s, len1)
    return (reg_loss, jnp.zeros((1,), dtype=jnp.float32), jnp.zeros((1,), dtype=jnp.float32), jnp.zeros((1,), dtype=jnp.float32))

if __name__ == "__main__":
    import jax
    _d = setup_inputs()
    print(jax.jit(kernel)(*tuple(_d.values())))

</pallas_src>

<mosaic_0001>
#map = affine_map<(d0, d1) -> (0)>
#map1 = affine_map<(d0, d1) -> (0, 0)>
module attributes {stable_mosaic.version = 14 : i64} {
  func.func @_mask_split(%arg0: i32, %arg1: i32, %arg2: memref<1048576xf32, #tpu.memory_space<hbm>>, %arg3: memref<1048576xi32, #tpu.memory_space<hbm>>, %arg4: memref<1048576xf32, #tpu.memory_space<hbm>>, %arg5: memref<1048576xf32, #tpu.memory_space<hbm>>, %arg6: memref<32x16xi32, #tpu.memory_space<hbm>>, %arg7: memref<8192xf32, #tpu.memory_space<vmem>>, %arg8: memref<8192xi32, #tpu.memory_space<vmem>>, %arg9: memref<8192xf32, #tpu.memory_space<vmem>>, %arg10: memref<8192xf32, #tpu.memory_space<vmem>>, %arg11: memref<16xi32, #tpu.memory_space<vmem>>) attributes {dimension_semantics = [#tpu.dimension_semantics<core_parallel>, #tpu.dimension_semantics<subcore_parallel>], iteration_bounds = array<i64: 2, 16>, scalar_prefetch = 0 : i64, scratch_operands = 5 : i64, tpu.core_type = #tpu.core_type<sc_vector_subcore>, window_params = [{transform_indices = #map}, {transform_indices = #map}, {transform_indices = #map}, {transform_indices = #map}, {transform_indices = #map1}]} {
    %mul3A = arith.constant 2 : i32
    %mul3A_0 = arith.muli %arg1, %mul3A : i32
    %add3A = arith.addi %mul3A_0, %arg0 : i32
    %mul3A_1 = arith.constant 32768 : i32
    %mul3A_2 = arith.muli %add3A, %mul3A_1 : i32
    %broadcast_in_dim3A = arith.constant 0x7F800000 : f32
    %broadcast_in_dim3A_3 = vector.broadcast %broadcast_in_dim3A : f32 to vector<16xf32>
    %broadcast_in_dim3A_4 = arith.constant 0 : i32
    %broadcast_in_dim3A_5 = vector.broadcast %broadcast_in_dim3A_4 : i32 to vector<16xi32>
    %scan3A = arith.constant 0 : i32
    %scan3A_6 = arith.constant 4 : i32
    %scan3A_7 = arith.addi %scan3A, %scan3A_6 : i32
    %scan3A_8 = arith.constant 1 : i32
    %scan3A_9 = scf.for %scan3A_14 = %scan3A to %scan3A_7 step %scan3A_8 iter_args(%scan3A_15 = %broadcast_in_dim3A_5) -> (vector<16xi32>)  : i32 {
      %mul3A_16 = arith.constant 8192 : i32
      %mul3A_17 = arith.muli %scan3A_14, %mul3A_16 : i32
      %add3A_18 = arith.addi %mul3A_2, %mul3A_17 : i32
      "tpu.region"() ({
        %run_scoped3A = tpu.sem_alloc : memref<!tpu.dma_semaphore, #tpu.memory_space<semaphore_mem>>
        %dma_start3A = tpu.memref_slice %arg2[%add3A_18] : memref<1048576xf32, #tpu.memory_space<hbm>> -> memref<8192xf32, #tpu.memory_space<hbm>>
        %dma_start3A_25 = tpu.memref_slice %arg2[%add3A_18] : memref<1048576xf32, #tpu.memory_space<hbm>> -> memref<8192xf32, #tpu.memory_space<hbm>>
        tpu.enqueue_dma source(%dma_start3A_25 : memref<8192xf32, #tpu.memory_space<hbm>>) target(%arg7 : memref<8192xf32, #tpu.memory_space<vmem>>) target_semaphore(%run_scoped3A : memref<!tpu.dma_semaphore, #tpu.memory_space<semaphore_mem>>)
        %dma_wait3A = tpu.memref_slice %arg2[%add3A_18] : memref<1048576xf32, #tpu.memory_space<hbm>> -> memref<8192xf32, #tpu.memory_space<hbm>>
        %dma_wait3A_26 = tpu.memref_slice %arg2[%add3A_18] : memref<1048576xf32, #tpu.memory_space<hbm>> -> memref<8192xf32, #tpu.memory_space<hbm>>
        tpu.wait_dma2 semaphore(%run_scoped3A : memref<!tpu.dma_semaphore, #tpu.memory_space<semaphore_mem>>) src(%dma_wait3A_26 : memref<8192xf32, #tpu.memory_space<hbm>>) dst(%arg7 : memref<8192xf32, #tpu.memory_space<vmem>>)
        tpu.yield
      }) : () -> ()
      "tpu.region"() ({
        %run_scoped3A = tpu.sem_alloc : memref<!tpu.dma_semaphore, #tpu.memory_space<semaphore_mem>>
        %dma_start3A = tpu.memref_slice %arg3[%add3A_18] : memref<1048576xi32, #tpu.memory_space<hbm>> -> memref<8192xi32, #tpu.memory_space<hbm>>
        %dma_start3A_25 = tpu.memref_slice %arg3[%add3A_18] : memref<1048576xi32, #tpu.memory_space<hbm>> -> memref<8192xi32, #tpu.memory_space<hbm>>
        tpu.enqueue_dma source(%dma_start3A_25 : memref<8192xi32, #tpu.memory_space<hbm>>) target(%arg8 : memref<8192xi32, #tpu.memory_space<vmem>>) target_semaphore(%run_scoped3A : memref<!tpu.dma_semaphore, #tpu.memory_space<semaphore_mem>>)
        %dma_wait3A = tpu.memref_slice %arg3[%add3A_18] : memref<1048576xi32, #tpu.memory_space<hbm>> -> memref<8192xi32, #tpu.memory_space<hbm>>
        %dma_wait3A_26 = tpu.memref_slice %arg3[%add3A_18] : memref<1048576xi32, #tpu.memory_space<hbm>> -> memref<8192xi32, #tpu.memory_space<hbm>>
        tpu.wait_dma2 semaphore(%run_scoped3A : memref<!tpu.dma_semaphore, #tpu.memory_space<semaphore_mem>>) src(%dma_wait3A_26 : memref<8192xi32, #tpu.memory_space<hbm>>) dst(%arg8 : memref<8192xi32, #tpu.memory_space<vmem>>)
        tpu.yield
      }) : () -> ()
      %scan3A_19 = arith.constant 0 : i32
      %scan3A_20 = arith.constant 512 : i32
      %scan3A_21 = arith.addi %scan3A_19, %scan3A_20 : i32
      %scan3A_22 = arith.constant 1 : i32
      %scan3A_23 = scf.for %scan3A_25 = %scan3A_19 to %scan3A_21 step %scan3A_22 iter_args(%scan3A_26 = %scan3A_15) -> (vector<16xi32>)  : i32 {
        %mul3A_27 = arith.constant 16 : i32
        %mul3A_28 = arith.muli %scan3A_25, %mul3A_27 : i32
        %get3A = arith.index_cast %mul3A_28 : i32 to index
        %get3A_29 = tpu.vector_load %arg7[%get3A] {strides = array<i32>} : memref<8192xf32, #tpu.memory_space<vmem>>, vector<16xf32>,
        %get3A_30 = vector.shape_cast %get3A_29 : vector<16xf32> to vector<16xf32>
        %mul3A_31 = arith.constant 16 : i32
        %mul3A_32 = arith.muli %scan3A_25, %mul3A_31 : i32
        %get3A_33 = arith.index_cast %mul3A_32 : i32 to index
        %get3A_34 = tpu.vector_load %arg8[%get3A_33] {strides = array<i32>} : memref<8192xi32, #tpu.memory_space<vmem>>, vector<16xi32>,
        %get3A_35 = vector.shape_cast %get3A_34 : vector<16xi32> to vector<16xi32>
        %eq3A = arith.constant 0 : i32
        %eq3A_36 = vector.broadcast %eq3A : i32 to vector<16xi32>
        %eq3A_37 = arith.cmpi eq, %get3A_35, %eq3A_36 : vector<16xi32>
        %select_n3A = arith.select %eq3A_37, %get3A_30, %broadcast_in_dim3A_3 : vector<16xi1>, vector<16xf32>
        %mul3A_38 = arith.constant 16 : i32
        %mul3A_39 = arith.muli %scan3A_25, %mul3A_38 : i32
        %swap3A_40 = arith.index_cast %mul3A_39 : i32 to index
        %swap3A_41 = tpu.vector_load %arg9[%swap3A_40] {strides = array<i32>} : memref<8192xf32, #tpu.memory_space<vmem>>, vector<16xf32>,
        %swap3A_42 = vector.shape_cast %swap3A_41 : vector<16xf32> to vector<16xf32>
        %swap3A_43 = vector.shape_cast %select_n3A : vector<16xf32> to vector<16xf32>
        tpu.vector_store %arg9[%swap3A_40], %swap3A_43 {strides = array<i32>} : memref<8192xf32, #tpu.memory_space<vmem>>, vector<16xf32>,
        %select_n3A_44 = arith.select %eq3A_37, %broadcast_in_dim3A_3, %get3A_30 : vector<16xi1>, vector<16xf32>
        %mul3A_45 = arith.constant 16 : i32
        %mul3A_46 = arith.muli %scan3A_25, %mul3A_45 : i32
        %swap3A_47 = arith.index_cast %mul3A_46 : i32 to index
        %swap3A_48 = tpu.vector_load %arg10[%swap3A_47] {strides = array<i32>} : memref<8192xf32, #tpu.memory_space<vmem>>, vector<16xf32>,
        %swap3A_49 = vector.shape_cast %swap3A_48 : vector<16xf32> to vector<16xf32>
        %swap3A_50 = vector.shape_cast %select_n3A_44 : vector<16xf32> to vector<16xf32>
        tpu.vector_store %arg10[%swap3A_47], %swap3A_50 {strides = array<i32>} : memref<8192xf32, #tpu.memory_space<vmem>>, vector<16xf32>,
        %jit3A = arith.constant 1 : i32
        %jit3A_51 = arith.constant 0 : i32
        %broadcast_in_dim3A_52 = vector.broadcast %jit3A : i32 to vector<16xi32>
        %broadcast_in_dim3A_53 = vector.broadcast %jit3A_51 : i32 to vector<16xi32>
        %select_n3A_54 = arith.select %eq3A_37, %broadcast_in_dim3A_52, %broadcast_in_dim3A_53 : vector<16xi1>, vector<16xi32>
        %add3A_55 = arith.addi %scan3A_26, %select_n3A_54 : vector<16xi32>
        scf.yield %add3A_55 : vector<16xi32>
      }
      %scan3A_24 = arith.constant 512 : i32
      "tpu.region"() ({
        %run_scoped3A = tpu.sem_alloc : memref<!tpu.dma_semaphore, #tpu.memory_space<semaphore_mem>>
        %dma_start3A = tpu.memref_slice %arg4[%add3A_18] : memref<1048576xf32, #tpu.memory_space<hbm>> -> memref<8192xf32, #tpu.memory_space<hbm>>
        %dma_start3A_25 = tpu.memref_slice %arg4[%add3A_18] : memref<1048576xf32, #tpu.memory_space<hbm>> -> memref<8192xf32, #tpu.memory_space<hbm>>
        tpu.enqueue_dma source(%arg9 : memref<8192xf32, #tpu.memory_space<vmem>>) target(%dma_start3A_25 : memref<8192xf32, #tpu.memory_space<hbm>>) target_semaphore(%run_scoped3A : memref<!tpu.dma_semaphore, #tpu.memory_space<semaphore_mem>>)
        %dma_wait3A = tpu.memref_slice %arg4[%add3A_18] : memref<1048576xf32, #tpu.memory_space<hbm>> -> memref<8192xf32, #tpu.memory_space<hbm>>
        %dma_wait3A_26 = tpu.memref_slice %arg4[%add3A_18] : memref<1048576xf32, #tpu.memory_space<hbm>> -> memref<8192xf32, #tpu.memory_space<hbm>>
        tpu.wait_dma2 semaphore(%run_scoped3A : memref<!tpu.dma_semaphore, #tpu.memory_space<semaphore_mem>>) src(%arg9 : memref<8192xf32, #tpu.memory_space<vmem>>) dst(%dma_wait3A_26 : memref<8192xf32, #tpu.memory_space<hbm>>)
        tpu.yield
      }) : () -> ()
      "tpu.region"() ({
        %run_scoped3A = tpu.sem_alloc : memref<!tpu.dma_semaphore, #tpu.memory_space<semaphore_mem>>
        %dma_start3A = tpu.memref_slice %arg5[%add3A_18] : memref<1048576xf32, #tpu.memory_space<hbm>> -> memref<8192xf32, #tpu.memory_space<hbm>>
        %dma_start3A_25 = tpu.memref_slice %arg5[%add3A_18] : memref<1048576xf32, #tpu.memory_space<hbm>> -> memref<8192xf32, #tpu.memory_space<hbm>>
        tpu.enqueue_dma source(%arg10 : memref<8192xf32, #tpu.memory_space<vmem>>) target(%dma_start3A_25 : memref<8192xf32, #tpu.memory_space<hbm>>) target_semaphore(%run_scoped3A : memref<!tpu.dma_semaphore, #tpu.memory_space<semaphore_mem>>)
        %dma_wait3A = tpu.memref_slice %arg5[%add3A_18] : memref<1048576xf32, #tpu.memory_space<hbm>> -> memref<8192xf32, #tpu.memory_space<hbm>>
        %dma_wait3A_26 = tpu.memref_slice %arg5[%add3A_18] : memref<1048576xf32, #tpu.memory_space<hbm>> -> memref<8192xf32, #tpu.memory_space<hbm>>
        tpu.wait_dma2 semaphore(%run_scoped3A : memref<!tpu.dma_semaphore, #tpu.memory_space<semaphore_mem>>) src(%arg10 : memref<8192xf32, #tpu.memory_space<vmem>>) dst(%dma_wait3A_26 : memref<8192xf32, #tpu.memory_space<hbm>>)
        tpu.yield
      }) : () -> ()
      scf.yield %scan3A_23 : vector<16xi32>
    }
    %scan3A_10 = arith.constant 4 : i32
    %swap3A = arith.constant 0 : index
    %swap3A_11 = tpu.vector_load %arg11[%swap3A] {strides = array<i32>} : memref<16xi32, #tpu.memory_space<vmem>>, vector<16xi32>,
    %swap3A_12 = vector.shape_cast %swap3A_11 : vector<16xi32> to vector<16xi32>
    %swap3A_13 = vector.shape_cast %scan3A_9 : vector<16xi32> to vector<16xi32>
    tpu.vector_store %arg11[%swap3A], %swap3A_13 {strides = array<i32>} : memref<16xi32, #tpu.memory_space<vmem>>, vector<16xi32>,
    "tpu.region"() ({
      %run_scoped3A = tpu.sem_alloc : memref<!tpu.dma_semaphore, #tpu.memory_space<semaphore_mem>>
      %dma_start3A = arith.constant 0 : i32
      %dma_start3A_14 = tpu.memref_slice %arg6[%add3A, %dma_start3A] : memref<32x16xi32, #tpu.memory_space<hbm>> -> memref<1x16xi32, #tpu.memory_space<hbm>>
      %dma_start3A_15 = tpu.memref_squeeze %dma_start3A_14 : memref<1x16xi32, #tpu.memory_space<hbm>> -> memref<16xi32, #tpu.memory_space<hbm>>
      %dma_start3A_16 = arith.constant 0 : i32
      %dma_start3A_17 = tpu.memref_slice %arg6[%add3A, %dma_start3A_16] : memref<32x16xi32, #tpu.memory_space<hbm>> -> memref<1x16xi32, #tpu.memory_space<hbm>>
      %dma_start3A_18 = tpu.memref_squeeze %dma_start3A_17 : memref<1x16xi32, #tpu.memory_space<hbm>> -> memref<16xi32, #tpu.memory_space<hbm>>
      tpu.enqueue_dma source(%arg11 : memref<16xi32, #tpu.memory_space<vmem>>) target(%dma_start3A_18 : memref<16xi32, #tpu.memory_space<hbm>>) target_semaphore(%run_scoped3A : memref<!tpu.dma_semaphore, #tpu.memory_space<semaphore_mem>>)
      %dma_wait3A = arith.constant 0 : i32
      %dma_wait3A_19 = tpu.memref_slice %arg6[%add3A, %dma_wait3A] : memref<32x16xi32, #tpu.memory_space<hbm>> -> memref<1x16xi32, #tpu.memory_space<hbm>>
      %dma_wait3A_20 = tpu.memref_squeeze %dma_wait3A_19 : memref<1x16xi32, #tpu.memory_space<hbm>> -> memref<16xi32, #tpu.memory_space<hbm>>
      %dma_wait3A_21 = arith.constant 0 : i32
      %dma_wait3A_22 = tpu.memref_slice %arg6[%add3A, %dma_wait3A_21] : memref<32x16xi32, #tpu.memory_space<hbm>> -> memref<1x16xi32, #tpu.memory_space<hbm>>
      %dma_wait3A_23 = tpu.memref_squeeze %dma_wait3A_22 : memref<1x16xi32, #tpu.memory_space<hbm>> -> memref<16xi32, #tpu.memory_space<hbm>>
      tpu.wait_dma2 semaphore(%run_scoped3A : memref<!tpu.dma_semaphore, #tpu.memory_space<semaphore_mem>>) src(%arg11 : memref<16xi32, #tpu.memory_space<vmem>>) dst(%dma_wait3A_23 : memref<16xi32, #tpu.memory_space<hbm>>)
      tpu.yield
    }) : () -> ()
    return
  }
}

#map = affine_map<(d0, d1) -> (0)>
#map1 = affine_map<(d0, d1) -> (0, 0)>
module attributes {stable_mosaic.version = 14 : i64} {
  func.func @_lerp_diff(%arg0: i32, %arg1: i32, %arg2: memref<1048576xf32, #tpu.memory_space<hbm>>, %arg3: memref<1048576xf32, #tpu.memory_space<hbm>>, %arg4: memref<1048576xf32, #tpu.memory_space<hbm>>, %arg5: memref<1048576xf32, #tpu.memory_space<hbm>>, %arg6: memref<16xf32, #tpu.memory_space<hbm>>, %arg7: memref<16xf32, #tpu.memory_space<hbm>>, %arg8: memref<16xi32, #tpu.memory_space<hbm>>, %arg9: memref<16xi32, #tpu.memory_space<hbm>>, %arg10: memref<16xi32, #tpu.memory_space<hbm>>, %arg11: memref<32x16xf32, #tpu.memory_space<hbm>>, %arg12: memref<8192xf32, #tpu.memory_space<vmem>>, %arg13: memref<8192xf32, #tpu.memory_space<vmem>>, %arg14: memref<8192xf32, #tpu.memory_space<vmem>>, %arg15: memref<8192xf32, #tpu.memory_space<vmem>>, %arg16: memref<16xf32, #tpu.memory_space<vmem>>, %arg17: memref<16xf32, #tpu.memory_space<vmem>>, %arg18: memref<16xi32, #tpu.memory_space<vmem>>, %arg19: memref<16xi32, #tpu.memory_space<vmem>>, %arg20: memref<16xi32, #tpu.memory_space<vmem>>, %arg21: memref<16xf32, #tpu.memory_space<vmem>>) attributes {dimension_semantics = [#tpu.dimension_semantics<core_parallel>, #tpu.dimension_semantics<subcore_parallel>], iteration_bounds = array<i64: 2, 16>, scalar_prefetch = 0 : i64, scratch_operands = 10 : i64, tpu.core_type = #tpu.core_type<sc_vector_subcore>, window_params = [{transform_indices = #map}, {transform_indices = #map}, {transform_indices = #map}, {transform_indices = #map}, {transform_indices = #map}, {transform_indices = #map}, {transform_indices = #map}, {transform_indices = #map}, {transform_indices = #map}, {transform_indices = #map1}]} {
    %mul3A = arith.constant 2 : i32
    %mul3A_0 = arith.muli %arg1, %mul3A : i32
    %add3A = arith.addi %mul3A_0, %arg0 : i32
    %mul3A_1 = arith.constant 32768 : i32
    %mul3A_2 = arith.muli %add3A, %mul3A_1 : i32
    "tpu.region"() ({
      %run_scoped3A = tpu.sem_alloc : memref<!tpu.dma_semaphore, #tpu.memory_space<semaphore_mem>>
      tpu.enqueue_dma source(%arg6 : memref<16xf32, #tpu.memory_space<hbm>>) target(%arg16 : memref<16xf32, #tpu.memory_space<vmem>>) target_semaphore(%run_scoped3A : memref<!tpu.dma_semaphore, #tpu.memory_space<semaphore_mem>>)
      tpu.wait_dma2 semaphore(%run_scoped3A : memref<!tpu.dma_semaphore, #tpu.memory_space<semaphore_mem>>) src(%arg6 : memref<16xf32, #tpu.memory_space<hbm>>) dst(%arg16 : memref<16xf32, #tpu.memory_space<vmem>>)
      tpu.yield
    }) : () -> ()
    "tpu.region"() ({
      %run_scoped3A = tpu.sem_alloc : memref<!tpu.dma_semaphore, #tpu.memory_space<semaphore_mem>>
      tpu.enqueue_dma source(%arg7 : memref<16xf32, #tpu.memory_space<hbm>>) target(%arg17 : memref<16xf32, #tpu.memory_space<vmem>>) target_semaphore(%run_scoped3A : memref<!tpu.dma_semaphore, #tpu.memory_space<semaphore_mem>>)
      tpu.wait_dma2 semaphore(%run_scoped3A : memref<!tpu.dma_semaphore, #tpu.memory_space<semaphore_mem>>) src(%arg7 : memref<16xf32, #tpu.memory_space<hbm>>) dst(%arg17 : memref<16xf32, #tpu.memory_space<vmem>>)
      tpu.yield
    }) : () -> ()
    "tpu.region"() ({
      %run_scoped3A = tpu.sem_alloc : memref<!tpu.dma_semaphore, #tpu.memory_space<semaphore_mem>>
      tpu.enqueue_dma source(%arg8 : memref<16xi32, #tpu.memory_space<hbm>>) target(%arg18 : memref<16xi32, #tpu.memory_space<vmem>>) target_semaphore(%run_scoped3A : memref<!tpu.dma_semaphore, #tpu.memory_space<semaphore_mem>>)
      tpu.wait_dma2 semaphore(%run_scoped3A : memref<!tpu.dma_semaphore, #tpu.memory_space<semaphore_mem>>) src(%arg8 : memref<16xi32, #tpu.memory_space<hbm>>) dst(%arg18 : memref<16xi32, #tpu.memory_space<vmem>>)
      tpu.yield
    }) : () -> ()
    "tpu.region"() ({
      %run_scoped3A = tpu.sem_alloc : memref<!tpu.dma_semaphore, #tpu.memory_space<semaphore_mem>>
      tpu.enqueue_dma source(%arg9 : memref<16xi32, #tpu.memory_space<hbm>>) target(%arg19 : memref<16xi32, #tpu.memory_space<vmem>>) target_semaphore(%run_scoped3A : memref<!tpu.dma_semaphore, #tpu.memory_space<semaphore_mem>>)
      tpu.wait_dma2 semaphore(%run_scoped3A : memref<!tpu.dma_semaphore, #tpu.memory_space<semaphore_mem>>) src(%arg9 : memref<16xi32, #tpu.memory_space<hbm>>) dst(%arg19 : memref<16xi32, #tpu.memory_space<vmem>>)
      tpu.yield
    }) : () -> ()
    "tpu.region"() ({
      %run_scoped3A = tpu.sem_alloc : memref<!tpu.dma_semaphore, #tpu.memory_space<semaphore_mem>>
      tpu.enqueue_dma source(%arg10 : memref<16xi32, #tpu.memory_space<hbm>>) target(%arg20 : memref<16xi32, #tpu.memory_space<vmem>>) target_semaphore(%run_scoped3A : memref<!tpu.dma_semaphore, #tpu.memory_space<semaphore_mem>>)
      tpu.wait_dma2 semaphore(%run_scoped3A : memref<!tpu.dma_semaphore, #tpu.memory_space<semaphore_mem>>) src(%arg10 : memref<16xi32, #tpu.memory_space<hbm>>) dst(%arg20 : memref<16xi32, #tpu.memory_space<vmem>>)
      tpu.yield
    }) : () -> ()
    %get3A = arith.constant 0 : index
    %get3A_3 = tpu.vector_load %arg16[%get3A] {strides = array<i32>} : memref<16xf32, #tpu.memory_space<vmem>>, vector<16xf32>,
    %get3A_4 = vector.shape_cast %get3A_3 : vector<16xf32> to vector<16xf32>
    %get3A_5 = arith.constant 0 : index
    %get3A_6 = tpu.vector_load %arg17[%get3A_5] {strides = array<i32>} : memref<16xf32, #tpu.memory_space<vmem>>, vector<16xf32>,
    %get3A_7 = vector.shape_cast %get3A_6 : vector<16xf32> to vector<16xf32>
    %get3A_8 = arith.constant 0 : index
    %get3A_9 = tpu.vector_load %arg18[%get3A_8] {strides = array<i32>} : memref<16xi32, #tpu.memory_space<vmem>>, vector<16xi32>,
    %get3A_10 = vector.shape_cast %get3A_9 : vector<16xi32> to vector<16xi32>
    %get3A_11 = arith.constant 0 : index
    %get3A_12 = tpu.vector_load %arg19[%get3A_11] {strides = array<i32>} : memref<16xi32, #tpu.memory_space<vmem>>, vector<16xi32>,
    %get3A_13 = vector.shape_cast %get3A_12 : vector<16xi32> to vector<16xi32>
    %get3A_14 = arith.constant 0 : index
    %get3A_15 = tpu.vector_load %arg20[%get3A_14] {strides = array<i32>} : memref<16xi32, #tpu.memory_space<vmem>>, vector<16xi32>,
    %get3A_16 = vector.shape_cast %get3A_15 : vector<16xi32> to vector<16xi32>
    %iota3A = tpu.iota {dimensions = array<i32: 0>} : vector<16xi32>
    %broadcast_in_dim3A = arith.constant 0 : i32
    %broadcast_in_dim3A_17 = vector.broadcast %broadcast_in_dim3A : i32 to vector<16xi32>
    %broadcast_in_dim3A_18 = arith.constant 0.000000e+00 : f32
    %broadcast_in_dim3A_19 = vector.broadcast %broadcast_in_dim3A_18 : f32 to vector<16xf32>
    %scan3A = arith.constant 0 : i32
    %scan3A_20 = arith.constant 4 : i32
    %scan3A_21 = arith.addi %scan3A, %scan3A_20 : i32
    %scan3A_22 = arith.constant 1 : i32
    %scan3A_23 = scf.for %scan3A_28 = %scan3A to %scan3A_21 step %scan3A_22 iter_args(%scan3A_29 = %broadcast_in_dim3A_19) -> (vector<16xf32>)  : i32 {
      %mul3A_30 = arith.constant 8192 : i32
      %mul3A_31 = arith.muli %scan3A_28, %mul3A_30 : i32
      %add3A_32 = arith.addi %mul3A_2, %mul3A_31 : i32
      "tpu.region"() ({
        %run_scoped3A = tpu.sem_alloc : memref<!tpu.dma_semaphore, #tpu.memory_space<semaphore_mem>>
        %dma_start3A = tpu.memref_slice %arg2[%add3A_32] : memref<1048576xf32, #tpu.memory_space<hbm>> -> memref<8192xf32, #tpu.memory_space<hbm>>
        %dma_start3A_39 = tpu.memref_slice %arg2[%add3A_32] : memref<1048576xf32, #tpu.memory_space<hbm>> -> memref<8192xf32, #tpu.memory_space<hbm>>
        tpu.enqueue_dma source(%dma_start3A_39 : memref<8192xf32, #tpu.memory_space<hbm>>) target(%arg12 : memref<8192xf32, #tpu.memory_space<vmem>>) target_semaphore(%run_scoped3A : memref<!tpu.dma_semaphore, #tpu.memory_space<semaphore_mem>>)
        %dma_wait3A = tpu.memref_slice %arg2[%add3A_32] : memref<1048576xf32, #tpu.memory_space<hbm>> -> memref<8192xf32, #tpu.memory_space<hbm>>
        %dma_wait3A_40 = tpu.memref_slice %arg2[%add3A_32] : memref<1048576xf32, #tpu.memory_space<hbm>> -> memref<8192xf32, #tpu.memory_space<hbm>>
        tpu.wait_dma2 semaphore(%run_scoped3A : memref<!tpu.dma_semaphore, #tpu.memory_space<semaphore_mem>>) src(%dma_wait3A_40 : memref<8192xf32, #tpu.memory_space<hbm>>) dst(%arg12 : memref<8192xf32, #tpu.memory_space<vmem>>)
        tpu.yield
      }) : () -> ()
      "tpu.region"() ({
        %run_scoped3A = tpu.sem_alloc : memref<!tpu.dma_semaphore, #tpu.memory_space<semaphore_mem>>
        %dma_start3A = tpu.memref_slice %arg3[%add3A_32] : memref<1048576xf32, #tpu.memory_space<hbm>> -> memref<8192xf32, #tpu.memory_space<hbm>>
        %dma_start3A_39 = tpu.memref_slice %arg3[%add3A_32] : memref<1048576xf32, #tpu.memory_space<hbm>> -> memref<8192xf32, #tpu.memory_space<hbm>>
        tpu.enqueue_dma source(%dma_start3A_39 : memref<8192xf32, #tpu.memory_space<hbm>>) target(%arg13 : memref<8192xf32, #tpu.memory_space<vmem>>) target_semaphore(%run_scoped3A : memref<!tpu.dma_semaphore, #tpu.memory_space<semaphore_mem>>)
        %dma_wait3A = tpu.memref_slice %arg3[%add3A_32] : memref<1048576xf32, #tpu.memory_space<hbm>> -> memref<8192xf32, #tpu.memory_space<hbm>>
        %dma_wait3A_40 = tpu.memref_slice %arg3[%add3A_32] : memref<1048576xf32, #tpu.memory_space<hbm>> -> memref<8192xf32, #tpu.memory_space<hbm>>
        tpu.wait_dma2 semaphore(%run_scoped3A : memref<!tpu.dma_semaphore, #tpu.memory_space<semaphore_mem>>) src(%dma_wait3A_40 : memref<8192xf32, #tpu.memory_space<hbm>>) dst(%arg13 : memref<8192xf32, #tpu.memory_space<vmem>>)
        tpu.yield
      }) : () -> ()
      "tpu.region"() ({
        %run_scoped3A = tpu.sem_alloc : memref<!tpu.dma_semaphore, #tpu.memory_space<semaphore_mem>>
        %dma_start3A = tpu.memref_slice %arg4[%add3A_32] : memref<1048576xf32, #tpu.memory_space<hbm>> -> memref<8192xf32, #tpu.memory_space<hbm>>
        %dma_start3A_39 = tpu.memref_slice %arg4[%add3A_32] : memref<1048576xf32, #tpu.memory_space<hbm>> -> memref<8192xf32, #tpu.memory_space<hbm>>
        tpu.enqueue_dma source(%dma_start3A_39 : memref<8192xf32, #tpu.memory_space<hbm>>) target(%arg14 : memref<8192xf32, #tpu.memory_space<vmem>>) target_semaphore(%run_scoped3A : memref<!tpu.dma_semaphore, #tpu.memory_space<semaphore_mem>>)
        %dma_wait3A = tpu.memref_slice %arg4[%add3A_32] : memref<1048576xf32, #tpu.memory_space<hbm>> -> memref<8192xf32, #tpu.memory_space<hbm>>
        %dma_wait3A_40 = tpu.memref_slice %arg4[%add3A_32] : memref<1048576xf32, #tpu.memory_space<hbm>> -> memref<8192xf32, #tpu.memory_space<hbm>>
        tpu.wait_dma2 semaphore(%run_scoped3A : memref<!tpu.dma_semaphore, #tpu.memory_space<semaphore_mem>>) src(%dma_wait3A_40 : memref<8192xf32, #tpu.memory_space<hbm>>) dst(%arg14 : memref<8192xf32, #tpu.memory_space<vmem>>)
        tpu.yield
      }) : () -> ()
      "tpu.region"() ({
        %run_scoped3A = tpu.sem_alloc : memref<!tpu.dma_semaphore, #tpu.memory_space<semaphore_mem>>
        %dma_start3A = tpu.memref_slice %arg5[%add3A_32] : memref<1048576xf32, #tpu.memory_space<hbm>> -> memref<8192xf32, #tpu.memory_space<hbm>>
        %dma_start3A_39 = tpu.memref_slice %arg5[%add3A_32] : memref<1048576xf32, #tpu.memory_space<hbm>> -> memref<8192xf32, #tpu.memory_space<hbm>>
        tpu.enqueue_dma source(%dma_start3A_39 : memref<8192xf32, #tpu.memory_space<hbm>>) target(%arg15 : memref<8192xf32, #tpu.memory_space<vmem>>) target_semaphore(%run_scoped3A : memref<!tpu.dma_semaphore, #tpu.memory_space<semaphore_mem>>)
        %dma_wait3A = tpu.memref_slice %arg5[%add3A_32] : memref<1048576xf32, #tpu.memory_space<hbm>> -> memref<8192xf32, #tpu.memory_space<hbm>>
        %dma_wait3A_40 = tpu.memref_slice %arg5[%add3A_32] : memref<1048576xf32, #tpu.memory_space<hbm>> -> memref<8192xf32, #tpu.memory_space<hbm>>
        tpu.wait_dma2 semaphore(%run_scoped3A : memref<!tpu.dma_semaphore, #tpu.memory_space<semaphore_mem>>) src(%dma_wait3A_40 : memref<8192xf32, #tpu.memory_space<hbm>>) dst(%arg15 : memref<8192xf32, #tpu.memory_space<vmem>>)
        tpu.yield
      }) : () -> ()
      %scan3A_33 = arith.constant 0 : i32
      %scan3A_34 = arith.constant 512 : i32
      %scan3A_35 = arith.addi %scan3A_33, %scan3A_34 : i32
      %scan3A_36 = arith.constant 1 : i32
      %scan3A_37 = scf.for %scan3A_39 = %scan3A_33 to %scan3A_35 step %scan3A_36 iter_args(%scan3A_40 = %scan3A_29) -> (vector<16xf32>)  : i32 {
        %mul3A_41 = arith.constant 16 : i32
        %mul3A_42 = arith.muli %scan3A_39, %mul3A_41 : i32
        %add3A_43 = arith.addi %add3A_32, %mul3A_42 : i32
        %add3A_44 = vector.broadcast %add3A_43 : i32 to vector<16xi32>
        %add3A_45 = arith.addi %add3A_44, %iota3A : vector<16xi32>
        %convert_element_type3A = arith.sitofp %add3A_45 : vector<16xi32> to vector<16xf32>
        %mul3A_46 = arith.mulf %convert_element_type3A, %get3A_4 : vector<16xf32>
        %mul3A_47 = arith.mulf %convert_element_type3A, %get3A_7 : vector<16xf32>
        %convert_element_type3A_48 = arith.fptosi %mul3A_46 : vector<16xf32> to vector<16xi32>
        %max3A = arith.maxsi %convert_element_type3A_48, %broadcast_in_dim3A_17 : vector<16xi32>
        %min3A = arith.minsi %max3A, %get3A_10 : vector<16xi32>
        %convert_element_type3A_49 = arith.fptosi %mul3A_47 : vector<16xf32> to vector<16xi32>
        %max3A_50 = arith.maxsi %convert_element_type3A_49, %broadcast_in_dim3A_17 : vector<16xi32>
        %min3A_51 = arith.minsi %max3A_50, %get3A_13 : vector<16xi32>
        %convert_element_type3A_52 = arith.sitofp %min3A : vector<16xi32> to vector<16xf32>
        %sub3A = arith.subf %mul3A_46, %convert_element_type3A_52 : vector<16xf32>
        %convert_element_type3A_53 = arith.sitofp %min3A_51 : vector<16xi32> to vector<16xf32>
        %sub3A_54 = arith.subf %mul3A_47, %convert_element_type3A_53 : vector<16xf32>
        %mul3A_55 = arith.constant 16 : i32
        %mul3A_56 = arith.muli %scan3A_39, %mul3A_55 : i32
        %get3A_57 = arith.index_cast %mul3A_56 : i32 to index
        %get3A_58 = tpu.vector_load %arg12[%get3A_57] {strides = array<i32>} : memref<8192xf32, #tpu.memory_space<vmem>>, vector<16xf32>,
        %get3A_59 = vector.shape_cast %get3A_58 : vector<16xf32> to vector<16xf32>
        %mul3A_60 = arith.constant 16 : i32
        %mul3A_61 = arith.muli %scan3A_39, %mul3A_60 : i32
        %get3A_62 = arith.index_cast %mul3A_61 : i32 to index
        %get3A_63 = tpu.vector_load %arg13[%get3A_62] {strides = array<i32>} : memref<8192xf32, #tpu.memory_space<vmem>>, vector<16xf32>,
        %get3A_64 = vector.shape_cast %get3A_63 : vector<16xf32> to vector<16xf32>
        %mul3A_65 = arith.constant 16 : i32
        %mul3A_66 = arith.muli %scan3A_39, %mul3A_65 : i32
        %get3A_67 = arith.index_cast %mul3A_66 : i32 to index
        %get3A_68 = tpu.vector_load %arg14[%get3A_67] {strides = array<i32>} : memref<8192xf32, #tpu.memory_space<vmem>>, vector<16xf32>,
        %get3A_69 = vector.shape_cast %get3A_68 : vector<16xf32> to vector<16xf32>
        %mul3A_70 = arith.constant 16 : i32
        %mul3A_71 = arith.muli %scan3A_39, %mul3A_70 : i32
        %get3A_72 = arith.index_cast %mul3A_71 : i32 to index
        %get3A_73 = tpu.vector_load %arg15[%get3A_72] {strides = array<i32>} : memref<8192xf32, #tpu.memory_space<vmem>>, vector<16xf32>,
        %get3A_74 = vector.shape_cast %get3A_73 : vector<16xf32> to vector<16xf32>
        %sub3A_75 = arith.constant 1.000000e+00 : f32
        %sub3A_76 = vector.broadcast %sub3A_75 : f32 to vector<16xf32>
        %sub3A_77 = arith.subf %sub3A_76, %sub3A : vector<16xf32>
        %mul3A_78 = arith.mulf %get3A_59, %sub3A_77 : vector<16xf32>
        %mul3A_79 = arith.mulf %get3A_64, %sub3A : vector<16xf32>
        %add3A_80 = arith.addf %mul3A_78, %mul3A_79 : vector<16xf32>
        %sub3A_81 = arith.constant 1.000000e+00 : f32
        %sub3A_82 = vector.broadcast %sub3A_81 : f32 to vector<16xf32>
        %sub3A_83 = arith.subf %sub3A_82, %sub3A_54 : vector<16xf32>
        %mul3A_84 = arith.mulf %get3A_69, %sub3A_83 : vector<16xf32>
        %mul3A_85 = arith.mulf %get3A_74, %sub3A_54 : vector<16xf32>
        %add3A_86 = arith.addf %mul3A_84, %mul3A_85 : vector<16xf32>
        %sub3A_87 = arith.subf %add3A_80, %add3A_86 : vector<16xf32>
        %abs3A = math.absf %sub3A_87 : vector<16xf32>
        %lt3A = arith.cmpi slt, %add3A_45, %get3A_16 : vector<16xi32>
        %jit3A = arith.constant 0.000000e+00 : f32
        %broadcast_in_dim3A_88 = vector.broadcast %jit3A : f32 to vector<16xf32>
        %select_n3A = arith.select %lt3A, %abs3A, %broadcast_in_dim3A_88 : vector<16xi1>, vector<16xf32>
        %add3A_89 = arith.addf %scan3A_40, %select_n3A : vector<16xf32>
        scf.yield %add3A_89 : vector<16xf32>
      }
      %scan3A_38 = arith.constant 512 : i32
      scf.yield %scan3A_37 : vector<16xf32>
    }
    %scan3A_24 = arith.constant 4 : i32
    %swap3A = arith.constant 0 : index
    %swap3A_25 = tpu.vector_load %arg21[%swap3A] {strides = array<i32>} : memref<16xf32, #tpu.memory_space<vmem>>, vector<16xf32>,
    %swap3A_26 = vector.shape_cast %swap3A_25 : vector<16xf32> to vector<16xf32>
    %swap3A_27 = vector.shape_cast %scan3A_23 : vector<16xf32> to vector<16xf32>
    tpu.vector_store %arg21[%swap3A], %swap3A_27 {strides = array<i32>} : memref<16xf32, #tpu.memory_space<vmem>>, vector<16xf32>,
    "tpu.region"() ({
      %run_scoped3A = tpu.sem_alloc : memref<!tpu.dma_semaphore, #tpu.memory_space<semaphore_mem>>
      %dma_start3A = arith.constant 0 : i32
      %dma_start3A_28 = tpu.memref_slice %arg11[%add3A, %dma_start3A] : memref<32x16xf32, #tpu.memory_space<hbm>> -> memref<1x16xf32, #tpu.memory_space<hbm>>
      %dma_start3A_29 = tpu.memref_squeeze %dma_start3A_28 : memref<1x16xf32, #tpu.memory_space<hbm>> -> memref<16xf32, #tpu.memory_space<hbm>>
      %dma_start3A_30 = arith.constant 0 : i32
      %dma_start3A_31 = tpu.memref_slice %arg11[%add3A, %dma_start3A_30] : memref<32x16xf32, #tpu.memory_space<hbm>> -> memref<1x16xf32, #tpu.memory_space<hbm>>
      %dma_start3A_32 = tpu.memref_squeeze %dma_start3A_31 : memref<1x16xf32, #tpu.memory_space<hbm>> -> memref<16xf32, #tpu.memory_space<hbm>>
      tpu.enqueue_dma source(%arg21 : memref<16xf32, #tpu.memory_space<vmem>>) target(%dma_start3A_32 : memref<16xf32, #tpu.memory_space<hbm>>) target_semaphore(%run_scoped3A : memref<!tpu.dma_semaphore, #tpu.memory_space<semaphore_mem>>)
      %dma_wait3A = arith.constant 0 : i32
      %dma_wait3A_33 = tpu.memref_slice %arg11[%add3A, %dma_wait3A] : memref<32x16xf32, #tpu.memory_space<hbm>> -> memref<1x16xf32, #tpu.memory_space<hbm>>
      %dma_wait3A_34 = tpu.memref_squeeze %dma_wait3A_33 : memref<1x16xf32, #tpu.memory_space<hbm>> -> memref<16xf32, #tpu.memory_space<hbm>>
      %dma_wait3A_35 = arith.constant 0 : i32
      %dma_wait3A_36 = tpu.memref_slice %arg11[%add3A, %dma_wait3A_35] : memref<32x16xf32, #tpu.memory_space<hbm>> -> memref<1x16xf32, #tpu.memory_space<hbm>>
      %dma_wait3A_37 = tpu.memref_squeeze %dma_wait3A_36 : memref<1x16xf32, #tpu.memory_space<hbm>> -> memref<16xf32, #tpu.memory_space<hbm>>
      tpu.wait_dma2 semaphore(%run_scoped3A : memref<!tpu.dma_semaphore, #tpu.memory_space<semaphore_mem>>) src(%arg21 : memref<16xf32, #tpu.memory_space<vmem>>) dst(%dma_wait3A_37 : memref<16xf32, #tpu.memory_space<hbm>>)
      tpu.yield
    }) : () -> ()
    return
  }
}

</mosaic_0001>

<sc_bundles>
// kernel: gather_offload_async_start.1
scs
__scs_entry_jumppad:
0x0: {  	(pc) =	sbr.rel $0x88, $3  }
0x1: {  	(tag) =	ssettag $0x0;
	lr =	simm.s32 $0x1  }
0x2: {  	[smem:$0x3F9D] =	sst lr;
	_ =	strace $0xD0000000  }
0x3: {  	_ = 	snop  }
0x4: {  	_ = 	snop  }
0x5: {  	_ = 	snop  }
0x6: {  	_ = 	snop  }
0x7: {  	_ = 	snop  }
__scs_overlays_trampoline_lowered:
0x8: {  	[smem:$0x3FAC] =	sst s0  }
0x9: {  	[smem:$0x3FAD] =	sst s1  }
0xa: {  	[smem:$0x3FAE] =	sst s2  }
0xb: {  	[smem:$0x3FAF] =	sst s3  }
0xc: {  	[smem:$0x3FB0] =	sst s4  }
0xd: {  	[smem:$0x3FB1] =	sst s5  }
0xe: {  	[smem:$0x3FB2] =	sst s6  }
0xf: {  	[smem:$0x3FB3] =	sst s7  }
0x10: {  	[smem:$0x3FB4] =	sst s8  }
0x11: {  	[smem:$0x3FB5] =	sst s9;
	s0 =	simm.s32 @!p0 $0x0  }
0x12: {  	s1 =	sld [smem:$0x3F9B];
	s0 =	simm.s32 @p0 $0x1  }
0x13: {  	[smem:$0x3FB6] =	sst s0;
	s0 =	simm.s32 @!p1 $0x0  }
0x14: {  	s2 =	sld [smem:$0x3F9A];
	s0 =	simm.s32 @p1 $0x1  }
0x15: {  	[smem:$0x3FB7] =	sst s0;
	s0 =	simm.s32 @!p2 $0x0  }
0x16: {  	s3 =	sld [smem:$0x3FDB];
	s0 =	simm.s32 @p2 $0x1  }
0x17: {  	s4 =	simm.s32 $0x1BF5;
	[smem:$0x3FB9] =	sst s0  }
0x18: {  	s0 =	sld [smem:$0x3F9C];
	_ =	swait.ge [sflag:s4], $0x0  }
0x19: {  	s7 =	sld [smem:$0x3F9D]  }
0x1a: {  	s8 =	sadd.s32 $0xFFFFE003, lr  }
0x1b: {  	s9 =	sadd.s32 $0xFFFFFEF7, lr;
	s5 =	simm.s32 $0xFFFFFFFF;
	p2 =	slt.u32 s8, $0xFFFFF086  }
0x1c: {  	p1 =	slt.u32 s9, $0xF7A;
	s5 =	simm.s32 @!p2 $0x0  }
0x1d: {  	s5 =	simm.s32 @p1 $0x1;
	p0 =	seq.s32 s7, s2  }
0x1e: {  	s7 =	smul.u32 @!p0 $0xF7A, s2;
	p2 =	seq.s32 @!p0 s5, $0x0  }
0x1f: {  	s9 =	smul.u32 $0xF7A, s1;
	s8 =	simm.s32 @!p0 $0x1BF5;
	p2 =	por !p2, p0  }
0x20: {  	[sflag:s8] =	ssyncset.s32 @!p0 $0xFFFFF086;
	s6 =	sadd.s32 @!p0 s3, s7;
	s7 =	simm.s32 @!p0 $0x108  }
0x21: {  	s3 =	sadd.s32 s3, s9;
	s6 =	sadd.s32 @!p0 $0x88, s6;
	s7 =	simm.s32 @p2 $0x1082  }
0x22: {  	[simem:s7], [sflag:s8] =	dma.local @!p0 [hbm:s6], $0xF7A  }
0x23: {  	s9 =	sor.u32 $0xD0000000, s2;
	s6 =	simm.s32 $0x108;
	_ =	swait.ge @!p0 [sflag:s8], $0x0  }
0x24: {  	s3 =	sadd.s32 $0x88, s3;
	s6 =	simm.s32 @!p1 $0x1082;
	[sflag:s4] =	ssyncset.s32 $0xFFFFF086  }
0x25: {  	[simem:s6], [sflag:s4] =	dma.local [hbm:s3], $0xF7A  }
0x26: {  	[smem:$0x3F9D] =	sst s1;
	(tag) =	ssettag s2;
	_ =	strace s9  }
0x27: {  	s1 =	sld [smem:$0x3FAD]  }
0x28: {  	s2 =	sld [smem:$0x3FAE]  }
0x29: {  	s4 =	sld [smem:$0x3FB0]  }
0x2a: {  	p0 =	seq.s32 s5, $0x0;
	s5 =	sld [smem:$0x3FB1]  }
0x2b: {  	s6 =	sld [smem:$0x3FB2]  }
0x2c: {  	s7 =	sld [smem:$0x3FB3]  }
0x2d: {  	s3 =	simm.s32 $0x108;
	s8 =	sld [smem:$0x3FB4]  }
0x2e: {  	s3 =	simm.s32 @!p0 $0x1082;
	s9 =	sld [smem:$0x3FB5]  }
0x2f: {  	lr =	sadd.s32 s0, s3;
	s0 =	sld [smem:$0x3FAC]  }
0x30: {  	s3 =	sld [smem:$0x3FAF]  }
0x31: {  	[smem:$0x3FB8] =	sst s10  }
0x32: {  	s10 =	sld [smem:$0x3FB6];
	_ =	sdelay $0x3  }
0x33: {  	p0 =	seq.s32 s10, $0x1;
	s10 =	sld [smem:$0x3FB8];
	_ =	sdelay $0x3  }
0x34: {  	[smem:$0x3FB8] =	sst s10  }
0x35: {  	s10 =	sld [smem:$0x3FB7];
	_ =	sdelay $0x3  }
0x36: {  	p1 =	seq.s32 s10, $0x1;
	s10 =	sld [smem:$0x3FB8];
	_ =	sdelay $0x3  }
0x37: {  	[smem:$0x3FB8] =	sst s10  }
0x38: {  	s10 =	sld [smem:$0x3FB9]  }
0x39: {  	_ = 	snop;
	(pc) =	sbr.ind lr, $3  }
0x3a: {  	_ = 	snop  }
0x3b: {  	_ = 	snop  }
0x3c: {  	p2 =	seq.s32 s10, $0x1;
	s10 =	sld [smem:$0x3FB8]  }
0x3d: {  	_ =	shalt  }
0x3e: {  	_ =	shalt  }
0x3f: {  	_ =	shalt  }
0x40: {  	_ =	shalt  }
0x41: {  	_ =	shalt  }
0x42: {  	_ =	shalt  }
0x43: {  	_ =	shalt  }
0x44: {  	_ =	shalt  }
0x45: {  	_ =	shalt  }
0x46: {  	_ =	shalt  }
0x47: {  	_ =	shalt  }
0x48: {  	_ =	shalt  }
0x49: {  	_ =	shalt  }
0x4a: {  	_ =	shalt  }
0x4b: {  	_ =	shalt  }
0x4c: {  	_ =	shalt  }
0x4d: {  	_ =	shalt  }
0x4e: {  	_ =	shalt  }
0x4f: {  	_ =	shalt  }
0x50: {  	_ =	shalt  }
0x51: {  	_ =	shalt  }
0x52: {  	_ =	shalt  }
0x53: {  	_ =	shalt  }
0x54: {  	_ =	shalt  }
0x55: {  	_ =	shalt  }
0x56: {  	_ =	shalt  }
0x57: {  	_ =	shalt  }
0x58: {  	_ =	shalt  }
0x59: {  	_ =	shalt  }
0x5a: {  	_ =	shalt  }
0x5b: {  	_ =	shalt  }
0x5c: {  	_ =	shalt  }
0x5d: {  	_ =	shalt  }
0x5e: {  	_ =	shalt  }
0x5f: {  	_ =	shalt  }
0x60: {  	_ =	shalt  }
0x61: {  	_ =	shalt  }
0x62: {  	_ =	shalt  }
0x63: {  	_ =	shalt  }
0x64: {  	_ =	shalt  }
0x65: {  	_ =	shalt  }
0x66: {  	_ =	shalt  }
0x67: {  	_ =	shalt  }
0x68: {  	_ =	shalt  }
0x69: {  	_ =	shalt  }
0x6a: {  	_ =	shalt  }
0x6b: {  	_ =	shalt  }
0x6c: {  	_ =	shalt  }
0x6d: {  	_ =	shalt  }
0x6e: {  	_ =	shalt  }
0x6f: {  	_ =	shalt  }
0x70: {  	_ =	shalt  }
0x71: {  	_ =	shalt  }
0x72: {  	_ =	shalt  }
0x73: {  	_ =	shalt  }
0x74: {  	_ =	shalt  }
0x75: {  	_ =	shalt  }
0x76: {  	_ =	shalt  }
0x77: {  	_ =	shalt  }
0x78: {  	_ =	shalt  }
0x79: {  	_ =	shalt  }
0x7a: {  	_ =	shalt  }
0x7b: {  	_ =	shalt  }
0x7c: {  	_ =	shalt  }
0x7d: {  	_ =	shalt  }
0x7e: {  	_ =	shalt  }
0x7f: {  	_ =	shalt  }
0x80: {  	_ =	shalt  }
0x81: {  	_ =	shalt  }
0x82: {  	_ =	shalt  }
0x83: {  	_ =	shalt  }
0x84: {  	_ =	shalt  }
0x85: {  	_ =	shalt  }
0x86: {  	_ =	shalt  }
0x87: {  	_ =	shalt  }
.Lfunc_end0:
.L_simem_size_0:
called_computation.1_lowered:
.L_overlay_start_0:
0x88: {  	s2 =	sld [smem:$0x3FD9]  }
0x89: {  	s3 =	sld [smem:$0x3FFE];
	_ =	sdelay $0x1  }
0x8a: {  	s1 =	srdreg.scid  }
0x8b: {  	s0 =	sand.u32 $0x1, s1  }
0x8c: {  	s17 =	sshll.u32 s0, $0xA;
	s2 =	sadd.s32 s3, s2  }
0x8d: {  	s2 =	sadd.s32 s2, s17  }
0x8e: {  	[smem:$0x3FC4] =	sst s2  }
0x8f: {  	_ = 	snop  }
0x90: {  	(tm) =	ssettm $0x1  }
0x91: {  	s18 =	sld [smem:$0x3FFB];
	_ =	sdelay $0x3  }
0x92: {  	_ =	strace s18  }
0x93: {  	s2 =	sld [smem:$0x3FFC];
	_ =	sdelay $0x3  }
0x94: {  	_ =	strace s2  }
0x95: {  	s2 =	sld [smem:$0x3FFD];
	_ =	sdelay $0x3  }
0x96: {  	_ =	strace s2  }
0x97: {  	_ =	strace $0x8FFFFFFF  }
0x98: {  	s19 =	sld [smem:$0x3FDB];
	_ =	sdelay $0x1  }
0x99: {  	s20 =	simm.s32 $_scs_section_size  }
0x9a: {  	s4 =	simm.s32 $_size__tile_overlayer_lowered;
	s5 =	simm.s32 $_tile_overlayer_lowered  }
0x9b: {  	s6 =	simm.s32 $0x1BFF;
	s21 =	sshll.u32 s5, $0x1;
	s3 =	sadd.s32 s20, s19  }
0x9c: {  	s22 =	simm.s32 $0x0;
	s4 =	sshll.u32 s4, $0x1;
	s5 =	sadd.s32 s21, s3  }
0x9d: {  	[timem:s22], [sflag:s6] =	dma.local [hbm:s5], s4  }
0x9e: {  	_ =	swait.ge [sflag:s6], s4  }
0x9f: {  	s4 =	ssub.s32 $0x0, s4;
	[sflag:s6] =	ssyncset.done $0x0  }
0xa0: {  	[sflag:s6] =	ssyncadd.s32 s4;
	_ =	sdelay $0x1  }
0xa1: {  	s23 =	simm.s32 $0x1B8B  }
0xa2: {  	_ =	swait.ge [sflag:s23], $0x1  }
0xa3: {  	[sflag:s23] =	ssyncset.done $0x0  }
0xa4: {  	[sflag:s23] =	ssyncadd.s32 $0xFFFFFFFF  }
0xa5: {  	s4 =	sld [smem:$0x0]  }
0xa6: {  	s5 =	sand.u32 $0xFFFFFFFE, s1  }
0xa7: {  	p0 =	sne.s32 s1, s5  }
0xa8: {  	s5 =	sshll.u32 @p0 s5, $0xE  }
0xa9: {  	s5 =	sadd.s32 @p0 $0x11B8D, s5;
	s6 =	sshll.u32 @p0 s4, $0x11  }
0xaa: {  	s5 =	sor.u32 @p0 s6, s5  }
0xab: {  	[sflag:s5] =	ssyncadd.remote.s32 @p0 $0x1;
	_ =	sdelay $0x1  }
0xac: {  	s5 =	simm.s32 @p0 $0x1B8D  }
0xad: {  	_ =	swait.eq @p0 [sflag:s5], $0x1  }
0xae: {  	[sflag:s5] =	ssyncadd.s32 @p0 $0xFFFFFFFF  }
0xaf: {  	s6 =	sshll.u32 @!p0 s1, $0xE  }
0xb0: {  	s6 =	sor.u32 @!p0 $0x4000, s6;
	s5 =	simm.s32 @!p0 $0x1B8D  }
0xb1: {  	s4 =	sshll.u32 @!p0 s4, $0x11;
	s6 =	sadd.s32 @!p0 $0x11B8D, s6;
	_ =	swait.eq @!p0 [sflag:s5], $0x1  }
0xb2: {  	s4 =	sor.u32 @!p0 s4, s6;
	[sflag:s5] =	ssyncadd.s32 @!p0 $0xFFFFFFFF  }
0xb3: {  	s25 =	simm.s32 $0x1B8E;
	s24 =	sld [smem:$0x3FFE];
	[sflag:s4] =	ssyncadd.remote.s32 @!p0 $0x1  }
0xb4: {  	s26 =	simm.s32 $execute0_lowered;
	[smem:$0x3FD2] =	sst s25  }
0xb5: {  	s5 =	sshll.u32 s26, $0x1;
	_ =	strace $0x8000004C;
	[dreg:$0x1] =	wrdreg $0xFFFFFFFF  }
0xb6: {  	s28 =	simm.s32 $_size_execute0_lowered;
	s3 =	sadd.s32 s3, s5;
	[dreg:$0x0] =	wrdreg $0x0  }
0xb7: {  	s5 =	sshll.u32 s28, $0x1;
	[dreg:$0x2] =	wrdreg s3  }
0xb8: {  	[dreg:$0x3] =	wrdreg s5  }
0xb9: {  	[dreg:$0x4] =	wrdreg $0xC0  }
0xba: {  	_ =	task [dreg:s22], $0x5FFFF  }
0xbb: {  	[dreg:$0x1] =	wrdreg $0xFFFFFFFF  }
0xbc: {  	[dreg:$0x0] =	wrdreg $0x60  }
0xbd: {  	[dreg:$0x2] =	wrdreg s24  }
0xbe: {  	[dreg:$0x3] =	wrdreg $0xA  }
0xbf: {  	_ =	task.clear_ibuf [dreg:s22], $0x4FFFF;
	_ =	strace $0x9000004C  }
0xc0: {  	s29 =	simm.s32 $0xA;
	_ =	strace $0x8000004E  }
0xc1: {  	_ =	swait.ge [sflag:s29], $0x1  }
0xc2: {  	[sflag:s29] =	ssyncadd.s32 $0xFFFFFFFF  }
0xc3: {  	_ =	strace $0x9000004E  }
0xc4: {  	_ =	sfence  }
0xc5: {  	s30 =	sld [smem:$0x0];
	_ =	sdelay $0x2  }
0xc6: {  	s31 =	sshll.u32 s1, $0xD;
	s1 =	sshrl.u32 s1, $0x2  }
0xc7: {  	s4 =	sand.u32 $0x4000, s31;
	s1 =	sadd.s32 s1, s30  }
0xc8: {  	s0 =	sor.u32 s4, s0;
	s1 =	sshll.u32 s1, $0x11  }
0xc9: {  	s0 =	sor.u32 s1, s0  }
0xca: {  	s0 =	sadd.s32 $0x8F2B, s0  }
0xcb: {  	[sflag:s0] =	ssyncadd.remote.s32 $0x1  }
0xcc: {  	_ =	sfence.sel $0xFFFF  }
0xcd: {  	[dreg:$0x0] =	wrdreg $0xFFFFFFFF;
	(pc) =	sbr.abs _section_cstart, $3  }
0xce: {  	[dreg:$0x1] =	wrdreg $0xFFFFFFFF  }
0xcf: {  	_ =	task.clear_ibuf [dreg:s22], $0x2FFFF;
	_ =	strace $0x9FFFFFFF  }
0xd0: {  	(tm) =	ssettm $0x7FFFFFFF  }
0xd1: {  	_ =	shalt  }
tec
execute0_lowered:
.L_overlay_start_1:
0x0: {  	(tag) =	ssettag $0x1  }
0x1: {  	s0 =	srdreg.scid;
	s5 =	rddreg [dreg:$0x0]  }
0x2: {  	s1 =	stileid.u32;
	s6 =	simm.s32 $0x1;
	s9 =	simm.s32 $0x1  }
0x3: {  	s10 =	simm.s32 $0x3;
	s13 =	simm.s32 $0x0;
	s2 =	sshll.u32 s0, $0xE  }
0x4: {  	s12 =	simm.s32 $0x0;
	s3 =	sshll.u32 s1, $0xF;
	s2 =	sand.u32 $0x4000, s2  }
0x5: {  	s0 =	rddreg [dreg:$0x1];
	_ =	strace $0x8000004D;
	s2 =	sor.u32 s3, s2  }
0x6: {  	s4 =	sadd.s32 $0x60200, s5;
	[sflag:s6] =	ssyncpa.u1 $0x0;
	s8 =	ssub.s32 $0x100000, s2  }
.Ltmp0:
0x7: {  	s3 =	sadd.s32 $0xC0200, s5;
	s7 =	sand.u32 $0x7C000, s8;
	(pc) =	sbr.rel .LBB2_1-.Ltmp0, $4  }
0x8: {  	s5 =	sadd.s32 $0xE0200, s5;
	s11 =	smov.u32 s2;
	p0 =	sne.s32 s7, $0x0  }
0x9: {  	s8 =	sshrl.u32 s8, $0x13;
	s7 =	simm.s32 $0x2;
	s9 =	simm.s32 @!p0 $0x0  }
0xa: {  	[sflag:s7] =	ssyncpa.u1 $0x0;
	p0 =	por $0x0, $0x0;
	s8 =	sadd.s32 s9, s8  }
0xb: {  	vm0 =	vmmov $0xffff;
	[sflag:s10] =	ssyncpa.u1 $0x0;
	s10 =	simm.s32 $0x0;
	s9 =	sadd.s32 $0x1, s8  }
.LBB2_4:
0xc: {  	v2 =	vnsel vm1, $0x0, v2  }
0xd: {  	vm1 =	vgt.s32 v0, $0x0;
	v2 =	vmin.u32 v2, $0xFFFFF  }
0xe: {  	v0 =	vnsel vm1, $0x0, v0  }
0xf: {  	v0 =	vmin.u32 v0, $0xFFFFF  }
0x10: {  	[tilespmem:s15], [sflag:$0x1] =	stream.indirect_vreg.gather [hbm4b:s3+s10], $0x1, v1, vm0, $0x4038;
	[tilespmem:$0x10000] =	vst v63  }
0x11: {  	(ifvalue) =	ssetifvalue $0x7FFFFFFF  }
0x12: {  	[tilespmem:s16], [sflag:$0x1] =	stream.indirect_vreg.gather [hbm4b:s3+s10], $0x1, v2, vm0, $0x4038;
	[tilespmem:$0x10000] =	vst v63  }
0x13: {  	s29 =	sadd.s32 $0x10, s16;
	(ifvalue) =	ssetifvalue $0x7FFFFFFF  }
0x14: {  	[tilespmem:s29], [sflag:$0x1] =	stream.indirect_vreg.gather [hbm4b:s3+s10], $0x1, v0, vm0, $0x4038;
	[tilespmem:$0x10000] =	vst v63  }
0x15: {  	_ =	swait.ge [sflag:s6], $0x4000  }
0x16: {  	s30 =	sshrl.u32 s13, $0x3;
	[sflag:s6] =	ssyncset.done $0x0  }
0x17: {  	s31 =	sand.u32 $0x7, s13;
	s15 =	sadd.s32 s5, s30;
	[sflag:s6] =	ssyncadd.s32 $0xFFFFC000  }
0x18: {  	[hbm4b:s15+s31] =	stream.linear.scatter [tilespmem:s14], [sflag:$0x3], $0x4000, $0x38;
	[tilespmem:$0x10000] =	vst v63  }
.LBB2_5:
0x19: {  	s15 =	sadd.s32 $0x80000, s11  }
0x1a: {  	p2 =	sgt.s32 s15, $0xFFFFF  }
0x1b: {  	s15 =	smov.u32 @p2 s2;
	p2 =	sne.s32 s12, s9  }
.Ltmp1:
0x1c: {  	p1 =	slt.u32 s12, $0x2;
	(pc) =	sbr.rel @!p2 .LBB2_6-.Ltmp1, $4  }
0x1d: {  	s14 =	simm.s32 @!p1 $0x3  }
0x1e: {  	s16 =	sadd.s32 $0x1, s12;
	_ =	swait.ge @!p1 [sflag:s14], $0x4000  }
0x1f: {  	s13 =	smov.u32 s11;
	p0 =	por !p0, !p0;
	[sflag:s14] =	ssyncset.done @!p1 $0x0  }
0x20: {  	s12 =	smov.u32 s16;
	s11 =	smov.u32 s15;
	[sflag:s14] =	ssyncadd.s32 @!p1 $0xFFFFC000  }
.LBB2_1:
0x21: {  	p1 =	sge.u32 s12, s8  }
0x22: {  	s14 =	sxor.u32 @!p1 $0xFFFFFFFF, s12  }
0x23: {  	s31 =	sadd.s32 $0xFFFFFFFF, s12;
	s15 =	sshrl.u32 @!p1 s11, $0x3;
	s14 =	sshll.u32 @!p1 s14, $0xE  }
0x24: {  	s16 =	sand.u32 @!p1 $0x7, s11;
	s15 =	sadd.s32 @!p1 s4, s15;
	s14 =	sand.u32 @!p1 $0x4000, s14  }
0x25: {  	[tilespmem:s14], [sflag:$0x2] =	stream.linear.gather @!p1 [hbm4b:s15+s16], $0x4000, $0x38;
	[tilespmem:$0x10000] =	vst v63  }
0x26: {  	p1 =	sge.u32 s31, s8  }
.Ltmp2:
0x27: {  	_ = 	snop;
	(pc) =	sbr.rel @p1 .LBB2_5-.Ltmp2, $1  }
0x28: {  	_ =	sdelay $0x3  }
0x29: {  	s14 =	simm.s32 $0x1  }
0x2a: {  	_ =	swait.ge [sflag:s7], $0x4000;
	s14 =	simm.s32 @!p0 $0x0  }
0x2b: {  	[sflag:s7] =	ssyncset.done $0x0;
	s14 =	sshll.u32 s14, $0xE  }
0x2c: {  	[sflag:s7] =	ssyncadd.s32 $0xFFFFC000;
	(ifvalue) =	ssetifvalue $0x7FFFFFFF;
	v0 =	vld.msk [tilespmem:s14+$0x0 ss:$0x1], $0xffff;
	_ =	sdelay $0x4  }
0x2d: {  	s15 =	sadd.s32 $0x10, s14;
	vm1 =	vgt.s32 v0, $0x0  }
0x2e: {  	v2 =	vld.msk [tilespmem:s15+$0x0 ss:$0x1], $0xffff;
	v1 =	vnsel vm1, $0x0, v0  }
0x2f: {  	v1 =	vmin.u32 v1, $0xFFFFF;
	_ =	sdelay $0x1  }
0x30: {  	s16 =	sshll.u32 s12, $0xE;
	s18 =	simm.s32 $0x20  }
0x31: {  	s16 =	sand.u32 $0x4000, s16;
	s17 =	sadd.s32 $0x10, s15;
	s15 =	sor.u32 $0x8000, s14  }
0x32: {  	s14 =	sor.u32 $0x8000, s16;
	s16 =	sadd.s32 $0x10, s15;
	v0 =	vld.msk [tilespmem:s17+$0x0 ss:$0x1], $0xffff;
	vm1 =	vgt.s32 v2, $0x0;
	(ifvalue) =	ssetifvalue $0x7FFFFFFF  }
.LBB2_3:
0x33: {  	[tilespmem:s15], [sflag:$0x1] =	stream.indirect_vreg.gather [hbm4b:s3+s10], $0x1, v1, vm0, $0x4038;
	[tilespmem:$0x10000] =	vst v63  }
0x34: {  	s18 =	sadd.s32 $0x10, s18  }
0x35: {  	v2 =	vnsel vm1, $0x0, v2;
	p1 =	slt.u32 s18, $0x3FF0  }
.Ltmp3:
0x36: {  	s15 =	smov.u32 s16;
	v1 =	vmin.u32 v2, $0xFFFFF;
	(pc) =	sbr.rel @p1 .LBB2_3-.Ltmp3, $3  }
0x37: {  	_ =	sdelay $0x1  }
0x38: {  	s17 =	sadd.s32 $0x10, s17  }
0x39: {  	vm1 =	vgt.s32 v0, $0x0;
	s16 =	sadd.s32 $0x10, s16;
	v2 =	vmov v0;
	(ifvalue) =	ssetifvalue $0x7FFFFFFF;
	v0 =	vld.msk [tilespmem:s17+$0x0 ss:$0x1], $0xffff  }
.Ltmp4:
0x3a: {  	_ = 	snop;
	(pc) =	sbr.rel .LBB2_4-.Ltmp4, $1  }
0x3b: {  	_ =	sdelay $0x3  }
.LBB2_6:
0x3c: {  	_ =	sfence.sel $0x180000  }
0x3d: {  	s2 =	simm.s32 $0x2;
	[bflag:$0x0] =	sbarrier.arrive $0xFFFF  }
0x3e: {  	s30 =	simm.s32 $0x3;
	[sflag:s2] =	ssyncpa.u1 $0x1  }
0x3f: {  	s31 =	simm.s32 $0x1;
	[sflag:s30] =	ssyncpa.u1 $0x1  }
0x40: {  	[sflag:s31] =	ssyncpa.u1 $0x1  }
0x41: {  	p0 =	sne.s32 s1, $0x0;
	_ =	strace $0x9000004D  }
0x42: {  	s0 =	sadd.s32 @!p0 $0x100000, s0;
	[bflag:$0x2] =	sbarrier.arrive $0xFFFF  }
0x43: {  	[sflag:s0] =	ssyncadd.tile.s32 @!p0 $0x1;
	_ =	shalt  }
.Lfunc_end2:
_tile_overlayer_lowered:
.L_overlay_start_2:
0x44: {  	(tag) =	ssettag $0x2  }
0x45: {  	s0 =	rddreg [dreg:$0x0];
	s2 =	stileid.u32  }
0x46: {  	s1 =	rddreg [dreg:$0x1];
	p0 =	sne.s32 s2, $0x0  }
0x47: {  	s3 =	rddreg [dreg:$0x2];
	[bflag:$0x3] =	sbarrier.arrive $0xFFFF;
	s2 =	simm.s32 @!p0 $0x1C01  }
0x48: {  	[timem:s3], [sflag:s2] =	dma.local @!p0 [hbm:s0], s1  }
0x49: {  	s0 =	simm.s32 @!p0 $0x1  }
0x4a: {  	_ =	swait.ge @!p0 [sflag:s0], s1  }
0x4b: {  	s1 =	ssub.s32 @!p0 $0x0, s1;
	[sflag:s0] =	ssyncset.done @!p0 $0x0  }
0x4c: {  	[sflag:s0] =	ssyncadd.s32 @!p0 s1  }
0x4d: {  	[bflag:$0x3] =	sbarrier.arrive $0xFFFF  }
0x4e: {  	_ =	shalt  }

// kernel: gather_offload_async_start.2
scs
__scs_entry_jumppad:
0x0: {  	(pc) =	sbr.rel $0x88, $3  }
0x1: {  	(tag) =	ssettag $0x0;
	lr =	simm.s32 $0x1  }
0x2: {  	[smem:$0x3F9D] =	sst lr;
	_ =	strace $0xD0000000  }
0x3: {  	_ = 	snop  }
0x4: {  	_ = 	snop  }
0x5: {  	_ = 	snop  }
0x6: {  	_ = 	snop  }
0x7: {  	_ = 	snop  }
__scs_overlays_trampoline_lowered:
0x8: {  	[smem:$0x3FAC] =	sst s0  }
0x9: {  	[smem:$0x3FAD] =	sst s1  }
0xa: {  	[smem:$0x3FAE] =	sst s2  }
0xb: {  	[smem:$0x3FAF] =	sst s3  }
0xc: {  	[smem:$0x3FB0] =	sst s4  }
0xd: {  	[smem:$0x3FB1] =	sst s5  }
0xe: {  	[smem:$0x3FB2] =	sst s6  }
0xf: {  	[smem:$0x3FB3] =	sst s7  }
0x10: {  	[smem:$0x3FB4] =	sst s8  }
0x11: {  	[smem:$0x3FB5] =	sst s9;
	s0 =	simm.s32 @!p0 $0x0  }
0x12: {  	s1 =	sld [smem:$0x3F9B];
	s0 =	simm.s32 @p0 $0x1  }
0x13: {  	[smem:$0x3FB6] =	sst s0;
	s0 =	simm.s32 @!p1 $0x0  }
0x14: {  	s2 =	sld [smem:$0x3F9A];
	s0 =	simm.s32 @p1 $0x1  }
0x15: {  	[smem:$0x3FB7] =	sst s0;
	s0 =	simm.s32 @!p2 $0x0  }
0x16: {  	s3 =	sld [smem:$0x3FDB];
	s0 =	simm.s32 @p2 $0x1  }
0x17: {  	s4 =	simm.s32 $0x1BF5;
	[smem:$0x3FB9] =	sst s0  }
0x18: {  	s0 =	sld [smem:$0x3F9C];
	_ =	swait.ge [sflag:s4], $0x0  }
0x19: {  	s7 =	sld [smem:$0x3F9D]  }
0x1a: {  	s8 =	sadd.s32 $0xFFFFE003, lr  }
0x1b: {  	s9 =	sadd.s32 $0xFFFFFEF7, lr;
	s5 =	simm.s32 $0xFFFFFFFF;
	p2 =	slt.u32 s8, $0xFFFFF086  }
0x1c: {  	p1 =	slt.u32 s9, $0xF7A;
	s5 =	simm.s32 @!p2 $0x0  }
0x1d: {  	s5 =	simm.s32 @p1 $0x1;
	p0 =	seq.s32 s7, s2  }
0x1e: {  	s7 =	smul.u32 @!p0 $0xF7A, s2;
	p2 =	seq.s32 @!p0 s5, $0x0  }
0x1f: {  	s9 =	smul.u32 $0xF7A, s1;
	s8 =	simm.s32 @!p0 $0x1BF5;
	p2 =	por !p2, p0  }
0x20: {  	[sflag:s8] =	ssyncset.s32 @!p0 $0xFFFFF086;
	s6 =	sadd.s32 @!p0 s3, s7;
	s7 =	simm.s32 @!p0 $0x108  }
0x21: {  	s3 =	sadd.s32 s3, s9;
	s6 =	sadd.s32 @!p0 $0x88, s6;
	s7 =	simm.s32 @p2 $0x1082  }
0x22: {  	[simem:s7], [sflag:s8] =	dma.local @!p0 [hbm:s6], $0xF7A  }
0x23: {  	s9 =	sor.u32 $0xD0000000, s2;
	s6 =	simm.s32 $0x108;
	_ =	swait.ge @!p0 [sflag:s8], $0x0  }
0x24: {  	s3 =	sadd.s32 $0x88, s3;
	s6 =	simm.s32 @!p1 $0x1082;
	[sflag:s4] =	ssyncset.s32 $0xFFFFF086  }
0x25: {  	[simem:s6], [sflag:s4] =	dma.local [hbm:s3], $0xF7A  }
0x26: {  	[smem:$0x3F9D] =	sst s1;
	(tag) =	ssettag s2;
	_ =	strace s9  }
0x27: {  	s1 =	sld [smem:$0x3FAD]  }
0x28: {  	s2 =	sld [smem:$0x3FAE]  }
0x29: {  	s4 =	sld [smem:$0x3FB0]  }
0x2a: {  	p0 =	seq.s32 s5, $0x0;
	s5 =	sld [smem:$0x3FB1]  }
0x2b: {  	s6 =	sld [smem:$0x3FB2]  }
0x2c: {  	s7 =	sld [smem:$0x3FB3]  }
0x2d: {  	s3 =	simm.s32 $0x108;
	s8 =	sld [smem:$0x3FB4]  }
0x2e: {  	s3 =	simm.s32 @!p0 $0x1082;
	s9 =	sld [smem:$0x3FB5]  }
0x2f: {  	lr =	sadd.s32 s0, s3;
	s0 =	sld [smem:$0x3FAC]  }
0x30: {  	s3 =	sld [smem:$0x3FAF]  }
0x31: {  	[smem:$0x3FB8] =	sst s10  }
0x32: {  	s10 =	sld [smem:$0x3FB6];
	_ =	sdelay $0x3  }
0x33: {  	p0 =	seq.s32 s10, $0x1;
	s10 =	sld [smem:$0x3FB8];
	_ =	sdelay $0x3  }
0x34: {  	[smem:$0x3FB8] =	sst s10  }
0x35: {  	s10 =	sld [smem:$0x3FB7];
	_ =	sdelay $0x3  }
0x36: {  	p1 =	seq.s32 s10, $0x1;
	s10 =	sld [smem:$0x3FB8];
	_ =	sdelay $0x3  }
0x37: {  	[smem:$0x3FB8] =	sst s10  }
0x38: {  	s10 =	sld [smem:$0x3FB9]  }
0x39: {  	_ = 	snop;
	(pc) =	sbr.ind lr, $3  }
0x3a: {  	_ = 	snop  }
0x3b: {  	_ = 	snop  }
0x3c: {  	p2 =	seq.s32 s10, $0x1;
	s10 =	sld [smem:$0x3FB8]  }
0x3d: {  	_ =	shalt  }
0x3e: {  	_ =	shalt  }
0x3f: {  	_ =	shalt  }
0x40: {  	_ =	shalt  }
0x41: {  	_ =	shalt  }
0x42: {  	_ =	shalt  }
0x43: {  	_ =	shalt  }
0x44: {  	_ =	shalt  }
0x45: {  	_ =	shalt  }
0x46: {  	_ =	shalt  }
0x47: {  	_ =	shalt  }
0x48: {  	_ =	shalt  }
0x49: {  	_ =	shalt  }
0x4a: {  	_ =	shalt  }
0x4b: {  	_ =	shalt  }
0x4c: {  	_ =	shalt  }
0x4d: {  	_ =	shalt  }
0x4e: {  	_ =	shalt  }
0x4f: {  	_ =	shalt  }
0x50: {  	_ =	shalt  }
0x51: {  	_ =	shalt  }
0x52: {  	_ =	shalt  }
0x53: {  	_ =	shalt  }
0x54: {  	_ =	shalt  }
0x55: {  	_ =	shalt  }
0x56: {  	_ =	shalt  }
0x57: {  	_ =	shalt  }
0x58: {  	_ =	shalt  }
0x59: {  	_ =	shalt  }
0x5a: {  	_ =	shalt  }
0x5b: {  	_ =	shalt  }
0x5c: {  	_ =	shalt  }
0x5d: {  	_ =	shalt  }
0x5e: {  	_ =	shalt  }
0x5f: {  	_ =	shalt  }
0x60: {  	_ =	shalt  }
0x61: {  	_ =	shalt  }
0x62: {  	_ =	shalt  }
0x63: {  	_ =	shalt  }
0x64: {  	_ =	shalt  }
0x65: {  	_ =	shalt  }
0x66: {  	_ =	shalt  }
0x67: {  	_ =	shalt  }
0x68: {  	_ =	shalt  }
0x69: {  	_ =	shalt  }
0x6a: {  	_ =	shalt  }
0x6b: {  	_ =	shalt  }
0x6c: {  	_ =	shalt  }
0x6d: {  	_ =	shalt  }
0x6e: {  	_ =	shalt  }
0x6f: {  	_ =	shalt  }
0x70: {  	_ =	shalt  }
0x71: {  	_ =	shalt  }
0x72: {  	_ =	shalt  }
0x73: {  	_ =	shalt  }
0x74: {  	_ =	shalt  }
0x75: {  	_ =	shalt  }
0x76: {  	_ =	shalt  }
0x77: {  	_ =	shalt  }
0x78: {  	_ =	shalt  }
0x79: {  	_ =	shalt  }
0x7a: {  	_ =	shalt  }
0x7b: {  	_ =	shalt  }
0x7c: {  	_ =	shalt  }
0x7d: {  	_ =	shalt  }
0x7e: {  	_ =	shalt  }
0x7f: {  	_ =	shalt  }
0x80: {  	_ =	shalt  }
0x81: {  	_ =	shalt  }
0x82: {  	_ =	shalt  }
0x83: {  	_ =	shalt  }
0x84: {  	_ =	shalt  }
0x85: {  	_ =	shalt  }
0x86: {  	_ =	shalt  }
0x87: {  	_ =	shalt  }
.Lfunc_end0:
.L_simem_size_0:
called_computation.2_lowered:
.L_overlay_start_0:
0x88: {  	s2 =	sld [smem:$0x3FD9]  }
0x89: {  	s3 =	sld [smem:$0x3FFE];
	_ =	sdelay $0x1  }
0x8a: {  	s1 =	srdreg.scid  }
0x8b: {  	s0 =	sand.u32 $0x1, s1  }
0x8c: {  	s17 =	sshll.u32 s0, $0xA;
	s2 =	sadd.s32 s3, s2  }
0x8d: {  	s2 =	sadd.s32 s2, s17  }
0x8e: {  	[smem:$0x3FC4] =	sst s2  }
0x8f: {  	_ = 	snop  }
0x90: {  	(tm) =	ssettm $0x1  }
0x91: {  	s18 =	sld [smem:$0x3FFB];
	_ =	sdelay $0x3  }
0x92: {  	_ =	strace s18  }
0x93: {  	s2 =	sld [smem:$0x3FFC];
	_ =	sdelay $0x3  }
0x94: {  	_ =	strace s2  }
0x95: {  	s2 =	sld [smem:$0x3FFD];
	_ =	sdelay $0x3  }
0x96: {  	_ =	strace s2  }
0x97: {  	_ =	strace $0x8FFFFFFF  }
0x98: {  	s19 =	sld [smem:$0x3FDB];
	_ =	sdelay $0x1  }
0x99: {  	s20 =	simm.s32 $_scs_section_size  }
0x9a: {  	s4 =	simm.s32 $_size__tile_overlayer_lowered;
	s5 =	simm.s32 $_tile_overlayer_lowered  }
0x9b: {  	s6 =	simm.s32 $0x1BFF;
	s21 =	sshll.u32 s5, $0x1;
	s3 =	sadd.s32 s20, s19  }
0x9c: {  	s22 =	simm.s32 $0x0;
	s4 =	sshll.u32 s4, $0x1;
	s5 =	sadd.s32 s21, s3  }
0x9d: {  	[timem:s22], [sflag:s6] =	dma.local [hbm:s5], s4  }
0x9e: {  	_ =	swait.ge [sflag:s6], s4  }
0x9f: {  	s4 =	ssub.s32 $0x0, s4;
	[sflag:s6] =	ssyncset.done $0x0  }
0xa0: {  	[sflag:s6] =	ssyncadd.s32 s4;
	_ =	sdelay $0x1  }
0xa1: {  	s23 =	simm.s32 $0x1B8B  }
0xa2: {  	_ =	swait.ge [sflag:s23], $0x1  }
0xa3: {  	[sflag:s23] =	ssyncset.done $0x0  }
0xa4: {  	[sflag:s23] =	ssyncadd.s32 $0xFFFFFFFF  }
0xa5: {  	s4 =	sld [smem:$0x0]  }
0xa6: {  	s5 =	sand.u32 $0xFFFFFFFE, s1  }
0xa7: {  	p0 =	sne.s32 s1, s5  }
0xa8: {  	s5 =	sshll.u32 @p0 s5, $0xE  }
0xa9: {  	s5 =	sadd.s32 @p0 $0x11B8D, s5;
	s6 =	sshll.u32 @p0 s4, $0x11  }
0xaa: {  	s5 =	sor.u32 @p0 s6, s5  }
0xab: {  	[sflag:s5] =	ssyncadd.remote.s32 @p0 $0x1;
	_ =	sdelay $0x1  }
0xac: {  	s5 =	simm.s32 @p0 $0x1B8D  }
0xad: {  	_ =	swait.eq @p0 [sflag:s5], $0x1  }
0xae: {  	[sflag:s5] =	ssyncadd.s32 @p0 $0xFFFFFFFF  }
0xaf: {  	s6 =	sshll.u32 @!p0 s1, $0xE  }
0xb0: {  	s6 =	sor.u32 @!p0 $0x4000, s6;
	s5 =	simm.s32 @!p0 $0x1B8D  }
0xb1: {  	s4 =	sshll.u32 @!p0 s4, $0x11;
	s6 =	sadd.s32 @!p0 $0x11B8D, s6;
	_ =	swait.eq @!p0 [sflag:s5], $0x1  }
0xb2: {  	s4 =	sor.u32 @!p0 s4, s6;
	[sflag:s5] =	ssyncadd.s32 @!p0 $0xFFFFFFFF  }
0xb3: {  	s25 =	simm.s32 $0x1B8E;
	s24 =	sld [smem:$0x3FFE];
	[sflag:s4] =	ssyncadd.remote.s32 @!p0 $0x1  }
0xb4: {  	s26 =	simm.s32 $execute0_lowered;
	[smem:$0x3FD2] =	sst s25  }
0xb5: {  	s5 =	sshll.u32 s26, $0x1;
	_ =	strace $0x8000004F;
	[dreg:$0x1] =	wrdreg $0xFFFFFFFF  }
0xb6: {  	s28 =	simm.s32 $_size_execute0_lowered;
	s3 =	sadd.s32 s3, s5;
	[dreg:$0x0] =	wrdreg $0x0  }
0xb7: {  	s5 =	sshll.u32 s28, $0x1;
	[dreg:$0x2] =	wrdreg s3  }
0xb8: {  	[dreg:$0x3] =	wrdreg s5  }
0xb9: {  	[dreg:$0x4] =	wrdreg $0xC0  }
0xba: {  	_ =	task [dreg:s22], $0x5FFFF  }
0xbb: {  	[dreg:$0x1] =	wrdreg $0xFFFFFFFF  }
0xbc: {  	[dreg:$0x0] =	wrdreg $0x60  }
0xbd: {  	[dreg:$0x2] =	wrdreg s24  }
0xbe: {  	[dreg:$0x3] =	wrdreg $0xB  }
0xbf: {  	_ =	task.clear_ibuf [dreg:s22], $0x4FFFF;
	_ =	strace $0x9000004F  }
0xc0: {  	s29 =	simm.s32 $0xB;
	_ =	strace $0x80000051  }
0xc1: {  	_ =	swait.ge [sflag:s29], $0x1  }
0xc2: {  	[sflag:s29] =	ssyncadd.s32 $0xFFFFFFFF  }
0xc3: {  	_ =	strace $0x90000051  }
0xc4: {  	_ =	sfence  }
0xc5: {  	s30 =	sld [smem:$0x0];
	_ =	sdelay $0x2  }
0xc6: {  	s31 =	sshll.u32 s1, $0xD;
	s1 =	sshrl.u32 s1, $0x2  }
0xc7: {  	s4 =	sand.u32 $0x4000, s31;
	s1 =	sadd.s32 s1, s30  }
0xc8: {  	s0 =	sor.u32 s4, s0;
	s1 =	sshll.u32 s1, $0x11  }
0xc9: {  	s0 =	sor.u32 s1, s0  }
0xca: {  	s0 =	sadd.s32 $0x8F2B, s0  }
0xcb: {  	[sflag:s0] =	ssyncadd.remote.s32 $0x1  }
0xcc: {  	_ =	sfence.sel $0xFFFF  }
0xcd: {  	[dreg:$0x0] =	wrdreg $0xFFFFFFFF;
	(pc) =	sbr.abs _section_cstart, $3  }
0xce: {  	[dreg:$0x1] =	wrdreg $0xFFFFFFFF  }
0xcf: {  	_ =	task.clear_ibuf [dreg:s22], $0x2FFFF;
	_ =	strace $0x9FFFFFFF  }
0xd0: {  	(tm) =	ssettm $0x7FFFFFFF  }
0xd1: {  	_ =	shalt  }
tec
execute0_lowered:
.L_overlay_start_1:
0x0: {  	(tag) =	ssettag $0x1  }
0x1: {  	s0 =	srdreg.scid;
	s5 =	rddreg [dreg:$0x0]  }
0x2: {  	s1 =	stileid.u32;
	s6 =	simm.s32 $0x1;
	s9 =	simm.s32 $0x1  }
0x3: {  	s10 =	simm.s32 $0x3;
	s13 =	simm.s32 $0x0;
	s2 =	sshll.u32 s0, $0xE  }
0x4: {  	s12 =	simm.s32 $0x0;
	s3 =	sshll.u32 s1, $0xF;
	s2 =	sand.u32 $0x4000, s2  }
0x5: {  	s0 =	rddreg [dreg:$0x1];
	_ =	strace $0x80000050;
	s2 =	sor.u32 s3, s2  }
0x6: {  	s4 =	sadd.s32 $0x80200, s5;
	[sflag:s6] =	ssyncpa.u1 $0x0;
	s8 =	ssub.s32 $0x100000, s2  }
.Ltmp0:
0x7: {  	s3 =	sadd.s32 $0x100200, s5;
	s7 =	sand.u32 $0x7C000, s8;
	(pc) =	sbr.rel .LBB2_1-.Ltmp0, $4  }
0x8: {  	s5 =	sadd.s32 $0x20000, s5;
	s11 =	smov.u32 s2;
	p0 =	sne.s32 s7, $0x0  }
0x9: {  	s8 =	sshrl.u32 s8, $0x13;
	s7 =	simm.s32 $0x2;
	s9 =	simm.s32 @!p0 $0x0  }
0xa: {  	[sflag:s7] =	ssyncpa.u1 $0x0;
	p0 =	por $0x0, $0x0;
	s8 =	sadd.s32 s9, s8  }
0xb: {  	vm0 =	vmmov $0xffff;
	[sflag:s10] =	ssyncpa.u1 $0x0;
	s10 =	simm.s32 $0x0;
	s9 =	sadd.s32 $0x1, s8  }
.LBB2_4:
0xc: {  	v2 =	vnsel vm1, $0x0, v2  }
0xd: {  	vm1 =	vgt.s32 v0, $0x0;
	v2 =	vmin.u32 v2, $0xFFFFF  }
0xe: {  	v0 =	vnsel vm1, $0x0, v0  }
0xf: {  	v0 =	vmin.u32 v0, $0xFFFFF  }
0x10: {  	[tilespmem:s15], [sflag:$0x1] =	stream.indirect_vreg.gather [hbm4b:s3+s10], $0x1, v1, vm0, $0x4038;
	[tilespmem:$0x10000] =	vst v63  }
0x11: {  	(ifvalue) =	ssetifvalue $0x7FFFFFFF  }
0x12: {  	[tilespmem:s16], [sflag:$0x1] =	stream.indirect_vreg.gather [hbm4b:s3+s10], $0x1, v2, vm0, $0x4038;
	[tilespmem:$0x10000] =	vst v63  }
0x13: {  	s29 =	sadd.s32 $0x10, s16;
	(ifvalue) =	ssetifvalue $0x7FFFFFFF  }
0x14: {  	[tilespmem:s29], [sflag:$0x1] =	stream.indirect_vreg.gather [hbm4b:s3+s10], $0x1, v0, vm0, $0x4038;
	[tilespmem:$0x10000] =	vst v63  }
0x15: {  	_ =	swait.ge [sflag:s6], $0x4000  }
0x16: {  	s30 =	sshrl.u32 s13, $0x3;
	[sflag:s6] =	ssyncset.done $0x0  }
0x17: {  	s31 =	sand.u32 $0x7, s13;
	s15 =	sadd.s32 s5, s30;
	[sflag:s6] =	ssyncadd.s32 $0xFFFFC000  }
0x18: {  	[hbm4b:s15+s31] =	stream.linear.scatter [tilespmem:s14], [sflag:$0x3], $0x4000, $0x38;
	[tilespmem:$0x10000] =	vst v63  }
.LBB2_5:
0x19: {  	s15 =	sadd.s32 $0x80000, s11  }
0x1a: {  	p2 =	sgt.s32 s15, $0xFFFFF  }
0x1b: {  	s15 =	smov.u32 @p2 s2;
	p2 =	sne.s32 s12, s9  }
.Ltmp1:
0x1c: {  	p1 =	slt.u32 s12, $0x2;
	(pc) =	sbr.rel @!p2 .LBB2_6-.Ltmp1, $4  }
0x1d: {  	s14 =	simm.s32 @!p1 $0x3  }
0x1e: {  	s16 =	sadd.s32 $0x1, s12;
	_ =	swait.ge @!p1 [sflag:s14], $0x4000  }
0x1f: {  	s13 =	smov.u32 s11;
	p0 =	por !p0, !p0;
	[sflag:s14] =	ssyncset.done @!p1 $0x0  }
0x20: {  	s12 =	smov.u32 s16;
	s11 =	smov.u32 s15;
	[sflag:s14] =	ssyncadd.s32 @!p1 $0xFFFFC000  }
.LBB2_1:
0x21: {  	p1 =	sge.u32 s12, s8  }
0x22: {  	s14 =	sxor.u32 @!p1 $0xFFFFFFFF, s12  }
0x23: {  	s31 =	sadd.s32 $0xFFFFFFFF, s12;
	s15 =	sshrl.u32 @!p1 s11, $0x3;
	s14 =	sshll.u32 @!p1 s14, $0xE  }
0x24: {  	s16 =	sand.u32 @!p1 $0x7, s11;
	s15 =	sadd.s32 @!p1 s4, s15;
	s14 =	sand.u32 @!p1 $0x4000, s14  }
0x25: {  	[tilespmem:s14], [sflag:$0x2] =	stream.linear.gather @!p1 [hbm4b:s15+s16], $0x4000, $0x38;
	[tilespmem:$0x10000] =	vst v63  }
0x26: {  	p1 =	sge.u32 s31, s8  }
.Ltmp2:
0x27: {  	_ = 	snop;
	(pc) =	sbr.rel @p1 .LBB2_5-.Ltmp2, $1  }
0x28: {  	_ =	sdelay $0x3  }
0x29: {  	s14 =	simm.s32 $0x1  }
0x2a: {  	_ =	swait.ge [sflag:s7], $0x4000;
	s14 =	simm.s32 @!p0 $0x0  }
0x2b: {  	[sflag:s7] =	ssyncset.done $0x0;
	s14 =	sshll.u32 s14, $0xE  }
0x2c: {  	[sflag:s7] =	ssyncadd.s32 $0xFFFFC000;
	(ifvalue) =	ssetifvalue $0x7FFFFFFF;
	v0 =	vld.msk [tilespmem:s14+$0x0 ss:$0x1], $0xffff;
	_ =	sdelay $0x4  }
0x2d: {  	s15 =	sadd.s32 $0x10, s14;
	vm1 =	vgt.s32 v0, $0x0  }
0x2e: {  	v2 =	vld.msk [tilespmem:s15+$0x0 ss:$0x1], $0xffff;
	v1 =	vnsel vm1, $0x0, v0  }
0x2f: {  	v1 =	vmin.u32 v1, $0xFFFFF;
	_ =	sdelay $0x1  }
0x30: {  	s16 =	sshll.u32 s12, $0xE;
	s18 =	simm.s32 $0x20  }
0x31: {  	s16 =	sand.u32 $0x4000, s16;
	s17 =	sadd.s32 $0x10, s15;
	s15 =	sor.u32 $0x8000, s14  }
0x32: {  	s14 =	sor.u32 $0x8000, s16;
	s16 =	sadd.s32 $0x10, s15;
	v0 =	vld.msk [tilespmem:s17+$0x0 ss:$0x1], $0xffff;
	vm1 =	vgt.s32 v2, $0x0;
	(ifvalue) =	ssetifvalue $0x7FFFFFFF  }
.LBB2_3:
0x33: {  	[tilespmem:s15], [sflag:$0x1] =	stream.indirect_vreg.gather [hbm4b:s3+s10], $0x1, v1, vm0, $0x4038;
	[tilespmem:$0x10000] =	vst v63  }
0x34: {  	s18 =	sadd.s32 $0x10, s18  }
0x35: {  	v2 =	vnsel vm1, $0x0, v2;
	p1 =	slt.u32 s18, $0x3FF0  }
.Ltmp3:
0x36: {  	s15 =	smov.u32 s16;
	v1 =	vmin.u32 v2, $0xFFFFF;
	(pc) =	sbr.rel @p1 .LBB2_3-.Ltmp3, $3  }
0x37: {  	_ =	sdelay $0x1  }
0x38: {  	s17 =	sadd.s32 $0x10, s17  }
0x39: {  	vm1 =	vgt.s32 v0, $0x0;
	s16 =	sadd.s32 $0x10, s16;
	v2 =	vmov v0;
	(ifvalue) =	ssetifvalue $0x7FFFFFFF;
	v0 =	vld.msk [tilespmem:s17+$0x0 ss:$0x1], $0xffff  }
.Ltmp4:
0x3a: {  	_ = 	snop;
	(pc) =	sbr.rel .LBB2_4-.Ltmp4, $1  }
0x3b: {  	_ =	sdelay $0x3  }
.LBB2_6:
0x3c: {  	_ =	sfence.sel $0x180000  }
0x3d: {  	s2 =	simm.s32 $0x2;
	[bflag:$0x0] =	sbarrier.arrive $0xFFFF  }
0x3e: {  	s30 =	simm.s32 $0x3;
	[sflag:s2] =	ssyncpa.u1 $0x1  }
0x3f: {  	s31 =	simm.s32 $0x1;
	[sflag:s30] =	ssyncpa.u1 $0x1  }
0x40: {  	[sflag:s31] =	ssyncpa.u1 $0x1  }
0x41: {  	p0 =	sne.s32 s1, $0x0;
	_ =	strace $0x90000050  }
0x42: {  	s0 =	sadd.s32 @!p0 $0x100000, s0;
	[bflag:$0x2] =	sbarrier.arrive $0xFFFF  }
0x43: {  	[sflag:s0] =	ssyncadd.tile.s32 @!p0 $0x1;
	_ =	shalt  }
.Lfunc_end2:
_tile_overlayer_lowered:
.L_overlay_start_2:
0x44: {  	(tag) =	ssettag $0x2  }
0x45: {  	s0 =	rddreg [dreg:$0x0];
	s2 =	stileid.u32  }
0x46: {  	s1 =	rddreg [dreg:$0x1];
	p0 =	sne.s32 s2, $0x0  }
0x47: {  	s3 =	rddreg [dreg:$0x2];
	[bflag:$0x3] =	sbarrier.arrive $0xFFFF;
	s2 =	simm.s32 @!p0 $0x1C01  }
0x48: {  	[timem:s3], [sflag:s2] =	dma.local @!p0 [hbm:s0], s1  }
0x49: {  	s0 =	simm.s32 @!p0 $0x1  }
0x4a: {  	_ =	swait.ge @!p0 [sflag:s0], s1  }
0x4b: {  	s1 =	ssub.s32 @!p0 $0x0, s1;
	[sflag:s0] =	ssyncset.done @!p0 $0x0  }
0x4c: {  	[sflag:s0] =	ssyncadd.s32 @!p0 s1  }
0x4d: {  	[bflag:$0x3] =	sbarrier.arrive $0xFFFF  }
0x4e: {  	_ =	shalt  }

// kernel: gather_offload_async_start.3
scs
__scs_entry_jumppad:
0x0: {  	(pc) =	sbr.rel $0x88, $3  }
0x1: {  	(tag) =	ssettag $0x0;
	lr =	simm.s32 $0x1  }
0x2: {  	[smem:$0x3F9D] =	sst lr;
	_ =	strace $0xD0000000  }
0x3: {  	_ = 	snop  }
0x4: {  	_ = 	snop  }
0x5: {  	_ = 	snop  }
0x6: {  	_ = 	snop  }
0x7: {  	_ = 	snop  }
__scs_overlays_trampoline_lowered:
0x8: {  	[smem:$0x3FAC] =	sst s0  }
0x9: {  	[smem:$0x3FAD] =	sst s1  }
0xa: {  	[smem:$0x3FAE] =	sst s2  }
0xb: {  	[smem:$0x3FAF] =	sst s3  }
0xc: {  	[smem:$0x3FB0] =	sst s4  }
0xd: {  	[smem:$0x3FB1] =	sst s5  }
0xe: {  	[smem:$0x3FB2] =	sst s6  }
0xf: {  	[smem:$0x3FB3] =	sst s7  }
0x10: {  	[smem:$0x3FB4] =	sst s8  }
0x11: {  	[smem:$0x3FB5] =	sst s9;
	s0 =	simm.s32 @!p0 $0x0  }
0x12: {  	s1 =	sld [smem:$0x3F9B];
	s0 =	simm.s32 @p0 $0x1  }
0x13: {  	[smem:$0x3FB6] =	sst s0;
	s0 =	simm.s32 @!p1 $0x0  }
0x14: {  	s2 =	sld [smem:$0x3F9A];
	s0 =	simm.s32 @p1 $0x1  }
0x15: {  	[smem:$0x3FB7] =	sst s0;
	s0 =	simm.s32 @!p2 $0x0  }
0x16: {  	s3 =	sld [smem:$0x3FDB];
	s0 =	simm.s32 @p2 $0x1  }
0x17: {  	s4 =	simm.s32 $0x1BF5;
	[smem:$0x3FB9] =	sst s0  }
0x18: {  	s0 =	sld [smem:$0x3F9C];
	_ =	swait.ge [sflag:s4], $0x0  }
0x19: {  	s7 =	sld [smem:$0x3F9D]  }
0x1a: {  	s8 =	sadd.s32 $0xFFFFE003, lr  }
0x1b: {  	s9 =	sadd.s32 $0xFFFFFEF7, lr;
	s5 =	simm.s32 $0xFFFFFFFF;
	p2 =	slt.u32 s8, $0xFFFFF086  }
0x1c: {  	p1 =	slt.u32 s9, $0xF7A;
	s5 =	simm.s32 @!p2 $0x0  }
0x1d: {  	s5 =	simm.s32 @p1 $0x1;
	p0 =	seq.s32 s7, s2  }
0x1e: {  	s7 =	smul.u32 @!p0 $0xF7A, s2;
	p2 =	seq.s32 @!p0 s5, $0x0  }
0x1f: {  	s9 =	smul.u32 $0xF7A, s1;
	s8 =	simm.s32 @!p0 $0x1BF5;
	p2 =	por !p2, p0  }
0x20: {  	[sflag:s8] =	ssyncset.s32 @!p0 $0xFFFFF086;
	s6 =	sadd.s32 @!p0 s3, s7;
	s7 =	simm.s32 @!p0 $0x108  }
0x21: {  	s3 =	sadd.s32 s3, s9;
	s6 =	sadd.s32 @!p0 $0x88, s6;
	s7 =	simm.s32 @p2 $0x1082  }
0x22: {  	[simem:s7], [sflag:s8] =	dma.local @!p0 [hbm:s6], $0xF7A  }
0x23: {  	s9 =	sor.u32 $0xD0000000, s2;
	s6 =	simm.s32 $0x108;
	_ =	swait.ge @!p0 [sflag:s8], $0x0  }
0x24: {  	s3 =	sadd.s32 $0x88, s3;
	s6 =	simm.s32 @!p1 $0x1082;
	[sflag:s4] =	ssyncset.s32 $0xFFFFF086  }
0x25: {  	[simem:s6], [sflag:s4] =	dma.local [hbm:s3], $0xF7A  }
0x26: {  	[smem:$0x3F9D] =	sst s1;
	(tag) =	ssettag s2;
	_ =	strace s9  }
0x27: {  	s1 =	sld [smem:$0x3FAD]  }
0x28: {  	s2 =	sld [smem:$0x3FAE]  }
0x29: {  	s4 =	sld [smem:$0x3FB0]  }
0x2a: {  	p0 =	seq.s32 s5, $0x0;
	s5 =	sld [smem:$0x3FB1]  }
0x2b: {  	s6 =	sld [smem:$0x3FB2]  }
0x2c: {  	s7 =	sld [smem:$0x3FB3]  }
0x2d: {  	s3 =	simm.s32 $0x108;
	s8 =	sld [smem:$0x3FB4]  }
0x2e: {  	s3 =	simm.s32 @!p0 $0x1082;
	s9 =	sld [smem:$0x3FB5]  }
0x2f: {  	lr =	sadd.s32 s0, s3;
	s0 =	sld [smem:$0x3FAC]  }
0x30: {  	s3 =	sld [smem:$0x3FAF]  }
0x31: {  	[smem:$0x3FB8] =	sst s10  }
0x32: {  	s10 =	sld [smem:$0x3FB6];
	_ =	sdelay $0x3  }
0x33: {  	p0 =	seq.s32 s10, $0x1;
	s10 =	sld [smem:$0x3FB8];
	_ =	sdelay $0x3  }
0x34: {  	[smem:$0x3FB8] =	sst s10  }
0x35: {  	s10 =	sld [smem:$0x3FB7];
	_ =	sdelay $0x3  }
0x36: {  	p1 =	seq.s32 s10, $0x1;
	s10 =	sld [smem:$0x3FB8];
	_ =	sdelay $0x3  }
0x37: {  	[smem:$0x3FB8] =	sst s10  }
0x38: {  	s10 =	sld [smem:$0x3FB9]  }
0x39: {  	_ = 	snop;
	(pc) =	sbr.ind lr, $3  }
0x3a: {  	_ = 	snop  }
0x3b: {  	_ = 	snop  }
0x3c: {  	p2 =	seq.s32 s10, $0x1;
	s10 =	sld [smem:$0x3FB8]  }
0x3d: {  	_ =	shalt  }
0x3e: {  	_ =	shalt  }
0x3f: {  	_ =	shalt  }
0x40: {  	_ =	shalt  }
0x41: {  	_ =	shalt  }
0x42: {  	_ =	shalt  }
0x43: {  	_ =	shalt  }
0x44: {  	_ =	shalt  }
0x45: {  	_ =	shalt  }
0x46: {  	_ =	shalt  }
0x47: {  	_ =	shalt  }
0x48: {  	_ =	shalt  }
0x49: {  	_ =	shalt  }
0x4a: {  	_ =	shalt  }
0x4b: {  	_ =	shalt  }
0x4c: {  	_ =	shalt  }
0x4d: {  	_ =	shalt  }
0x4e: {  	_ =	shalt  }
0x4f: {  	_ =	shalt  }
0x50: {  	_ =	shalt  }
0x51: {  	_ =	shalt  }
0x52: {  	_ =	shalt  }
0x53: {  	_ =	shalt  }
0x54: {  	_ =	shalt  }
0x55: {  	_ =	shalt  }
0x56: {  	_ =	shalt  }
0x57: {  	_ =	shalt  }
0x58: {  	_ =	shalt  }
0x59: {  	_ =	shalt  }
0x5a: {  	_ =	shalt  }
0x5b: {  	_ =	shalt  }
0x5c: {  	_ =	shalt  }
0x5d: {  	_ =	shalt  }
0x5e: {  	_ =	shalt  }
0x5f: {  	_ =	shalt  }
0x60: {  	_ =	shalt  }
0x61: {  	_ =	shalt  }
0x62: {  	_ =	shalt  }
0x63: {  	_ =	shalt  }
0x64: {  	_ =	shalt  }
0x65: {  	_ =	shalt  }
0x66: {  	_ =	shalt  }
0x67: {  	_ =	shalt  }
0x68: {  	_ =	shalt  }
0x69: {  	_ =	shalt  }
0x6a: {  	_ =	shalt  }
0x6b: {  	_ =	shalt  }
0x6c: {  	_ =	shalt  }
0x6d: {  	_ =	shalt  }
0x6e: {  	_ =	shalt  }
0x6f: {  	_ =	shalt  }
0x70: {  	_ =	shalt  }
0x71: {  	_ =	shalt  }
0x72: {  	_ =	shalt  }
0x73: {  	_ =	shalt  }
0x74: {  	_ =	shalt  }
0x75: {  	_ =	shalt  }
0x76: {  	_ =	shalt  }
0x77: {  	_ =	shalt  }
0x78: {  	_ =	shalt  }
0x79: {  	_ =	shalt  }
0x7a: {  	_ =	shalt  }
0x7b: {  	_ =	shalt  }
0x7c: {  	_ =	shalt  }
0x7d: {  	_ =	shalt  }
0x7e: {  	_ =	shalt  }
0x7f: {  	_ =	shalt  }
0x80: {  	_ =	shalt  }
0x81: {  	_ =	shalt  }
0x82: {  	_ =	shalt  }
0x83: {  	_ =	shalt  }
0x84: {  	_ =	shalt  }
0x85: {  	_ =	shalt  }
0x86: {  	_ =	shalt  }
0x87: {  	_ =	shalt  }
.Lfunc_end0:
.L_simem_size_0:
called_computation.3_lowered:
.L_overlay_start_0:
0x88: {  	s2 =	sld [smem:$0x3FD9]  }
0x89: {  	s3 =	sld [smem:$0x3FFE];
	_ =	sdelay $0x1  }
0x8a: {  	s1 =	srdreg.scid  }
0x8b: {  	s0 =	sand.u32 $0x1, s1  }
0x8c: {  	s17 =	sshll.u32 s0, $0xA;
	s2 =	sadd.s32 s3, s2  }
0x8d: {  	s2 =	sadd.s32 s2, s17  }
0x8e: {  	[smem:$0x3FC4] =	sst s2  }
0x8f: {  	_ = 	snop  }
0x90: {  	(tm) =	ssettm $0x1  }
0x91: {  	s18 =	sld [smem:$0x3FFB];
	_ =	sdelay $0x3  }
0x92: {  	_ =	strace s18  }
0x93: {  	s2 =	sld [smem:$0x3FFC];
	_ =	sdelay $0x3  }
0x94: {  	_ =	strace s2  }
0x95: {  	s2 =	sld [smem:$0x3FFD];
	_ =	sdelay $0x3  }
0x96: {  	_ =	strace s2  }
0x97: {  	_ =	strace $0x8FFFFFFF  }
0x98: {  	s19 =	sld [smem:$0x3FDB];
	_ =	sdelay $0x1  }
0x99: {  	s20 =	simm.s32 $_scs_section_size  }
0x9a: {  	s4 =	simm.s32 $_size__tile_overlayer_lowered;
	s5 =	simm.s32 $_tile_overlayer_lowered  }
0x9b: {  	s6 =	simm.s32 $0x1BFF;
	s21 =	sshll.u32 s5, $0x1;
	s3 =	sadd.s32 s20, s19  }
0x9c: {  	s22 =	simm.s32 $0x0;
	s4 =	sshll.u32 s4, $0x1;
	s5 =	sadd.s32 s21, s3  }
0x9d: {  	[timem:s22], [sflag:s6] =	dma.local [hbm:s5], s4  }
0x9e: {  	_ =	swait.ge [sflag:s6], s4  }
0x9f: {  	s4 =	ssub.s32 $0x0, s4;
	[sflag:s6] =	ssyncset.done $0x0  }
0xa0: {  	[sflag:s6] =	ssyncadd.s32 s4;
	_ =	sdelay $0x1  }
0xa1: {  	s23 =	simm.s32 $0x1B8B  }
0xa2: {  	_ =	swait.ge [sflag:s23], $0x1  }
0xa3: {  	[sflag:s23] =	ssyncset.done $0x0  }
0xa4: {  	[sflag:s23] =	ssyncadd.s32 $0xFFFFFFFF  }
0xa5: {  	s4 =	sld [smem:$0x0]  }
0xa6: {  	s5 =	sand.u32 $0xFFFFFFFE, s1  }
0xa7: {  	p0 =	sne.s32 s1, s5  }
0xa8: {  	s5 =	sshll.u32 @p0 s5, $0xE  }
0xa9: {  	s5 =	sadd.s32 @p0 $0x11B8D, s5;
	s6 =	sshll.u32 @p0 s4, $0x11  }
0xaa: {  	s5 =	sor.u32 @p0 s6, s5  }
0xab: {  	[sflag:s5] =	ssyncadd.remote.s32 @p0 $0x1;
	_ =	sdelay $0x1  }
0xac: {  	s5 =	simm.s32 @p0 $0x1B8D  }
0xad: {  	_ =	swait.eq @p0 [sflag:s5], $0x1  }
0xae: {  	[sflag:s5] =	ssyncadd.s32 @p0 $0xFFFFFFFF  }
0xaf: {  	s6 =	sshll.u32 @!p0 s1, $0xE  }
0xb0: {  	s6 =	sor.u32 @!p0 $0x4000, s6;
	s5 =	simm.s32 @!p0 $0x1B8D  }
0xb1: {  	s4 =	sshll.u32 @!p0 s4, $0x11;
	s6 =	sadd.s32 @!p0 $0x11B8D, s6;
	_ =	swait.eq @!p0 [sflag:s5], $0x1  }
0xb2: {  	s4 =	sor.u32 @!p0 s4, s6;
	[sflag:s5] =	ssyncadd.s32 @!p0 $0xFFFFFFFF  }
0xb3: {  	s25 =	simm.s32 $0x1B8E;
	s24 =	sld [smem:$0x3FFE];
	[sflag:s4] =	ssyncadd.remote.s32 @!p0 $0x1  }
0xb4: {  	s26 =	simm.s32 $execute0_lowered;
	[smem:$0x3FD2] =	sst s25  }
0xb5: {  	s5 =	sshll.u32 s26, $0x1;
	_ =	strace $0x80000052;
	[dreg:$0x1] =	wrdreg $0xFFFFFFFF  }
0xb6: {  	s28 =	simm.s32 $_size_execute0_lowered;
	s3 =	sadd.s32 s3, s5;
	[dreg:$0x0] =	wrdreg $0x0  }
0xb7: {  	s5 =	sshll.u32 s28, $0x1;
	[dreg:$0x2] =	wrdreg s3  }
0xb8: {  	[dreg:$0x3] =	wrdreg s5  }
0xb9: {  	[dreg:$0x4] =	wrdreg $0xC0  }
0xba: {  	_ =	task [dreg:s22], $0x5FFFF  }
0xbb: {  	[dreg:$0x1] =	wrdreg $0xFFFFFFFF  }
0xbc: {  	[dreg:$0x0] =	wrdreg $0x60  }
0xbd: {  	[dreg:$0x2] =	wrdreg s24  }
0xbe: {  	[dreg:$0x3] =	wrdreg $0xC  }
0xbf: {  	_ =	task.clear_ibuf [dreg:s22], $0x4FFFF;
	_ =	strace $0x90000052  }
0xc0: {  	s29 =	simm.s32 $0xC;
	_ =	strace $0x80000054  }
0xc1: {  	_ =	swait.ge [sflag:s29], $0x1  }
0xc2: {  	[sflag:s29] =	ssyncadd.s32 $0xFFFFFFFF  }
0xc3: {  	_ =	strace $0x90000054  }
0xc4: {  	_ =	sfence  }
0xc5: {  	s30 =	sld [smem:$0x0];
	_ =	sdelay $0x2  }
0xc6: {  	s31 =	sshll.u32 s1, $0xD;
	s1 =	sshrl.u32 s1, $0x2  }
0xc7: {  	s4 =	sand.u32 $0x4000, s31;
	s1 =	sadd.s32 s1, s30  }
0xc8: {  	s0 =	sor.u32 s4, s0;
	s1 =	sshll.u32 s1, $0x11  }
0xc9: {  	s0 =	sor.u32 s1, s0  }
0xca: {  	s0 =	sadd.s32 $0x8F2B, s0  }
0xcb: {  	[sflag:s0] =	ssyncadd.remote.s32 $0x1  }
0xcc: {  	_ =	sfence.sel $0xFFFF  }
0xcd: {  	[dreg:$0x0] =	wrdreg $0xFFFFFFFF;
	(pc) =	sbr.abs _section_cstart, $3  }
0xce: {  	[dreg:$0x1] =	wrdreg $0xFFFFFFFF  }
0xcf: {  	_ =	task.clear_ibuf [dreg:s22], $0x2FFFF;
	_ =	strace $0x9FFFFFFF  }
0xd0: {  	(tm) =	ssettm $0x7FFFFFFF  }
0xd1: {  	_ =	shalt  }
tec
execute0_lowered:
.L_overlay_start_1:
0x0: {  	(tag) =	ssettag $0x1  }
0x1: {  	s0 =	srdreg.scid;
	s5 =	rddreg [dreg:$0x0]  }
0x2: {  	s1 =	stileid.u32;
	s6 =	simm.s32 $0x1;
	s9 =	simm.s32 $0x1  }
0x3: {  	s10 =	simm.s32 $0x3;
	s13 =	simm.s32 $0x0;
	s2 =	sshll.u32 s0, $0xE  }
0x4: {  	s12 =	simm.s32 $0x0;
	s3 =	sshll.u32 s1, $0xF;
	s2 =	sand.u32 $0x4000, s2  }
0x5: {  	s0 =	rddreg [dreg:$0x1];
	_ =	strace $0x80000053;
	s2 =	sor.u32 s3, s2  }
0x6: {  	s4 =	sadd.s32 $0xA0200, s5;
	[sflag:s6] =	ssyncpa.u1 $0x0;
	s8 =	ssub.s32 $0x100000, s2  }
.Ltmp0:
0x7: {  	s3 =	sadd.s32 $0x100200, s5;
	s7 =	sand.u32 $0x7C000, s8;
	(pc) =	sbr.rel .LBB2_1-.Ltmp0, $4  }
0x8: {  	s5 =	sadd.s32 $0x120200, s5;
	s11 =	smov.u32 s2;
	p0 =	sne.s32 s7, $0x0  }
0x9: {  	s8 =	sshrl.u32 s8, $0x13;
	s7 =	simm.s32 $0x2;
	s9 =	simm.s32 @!p0 $0x0  }
0xa: {  	[sflag:s7] =	ssyncpa.u1 $0x0;
	p0 =	por $0x0, $0x0;
	s8 =	sadd.s32 s9, s8  }
0xb: {  	vm0 =	vmmov $0xffff;
	[sflag:s10] =	ssyncpa.u1 $0x0;
	s10 =	simm.s32 $0x0;
	s9 =	sadd.s32 $0x1, s8  }
.LBB2_4:
0xc: {  	v2 =	vnsel vm1, $0x0, v2  }
0xd: {  	vm1 =	vgt.s32 v0, $0x0;
	v2 =	vmin.u32 v2, $0xFFFFF  }
0xe: {  	v0 =	vnsel vm1, $0x0, v0  }
0xf: {  	v0 =	vmin.u32 v0, $0xFFFFF  }
0x10: {  	[tilespmem:s15], [sflag:$0x1] =	stream.indirect_vreg.gather [hbm4b:s3+s10], $0x1, v1, vm0, $0x4038;
	[tilespmem:$0x10000] =	vst v63  }
0x11: {  	(ifvalue) =	ssetifvalue $0x7FFFFFFF  }
0x12: {  	[tilespmem:s16], [sflag:$0x1] =	stream.indirect_vreg.gather [hbm4b:s3+s10], $0x1, v2, vm0, $0x4038;
	[tilespmem:$0x10000] =	vst v63  }
0x13: {  	s29 =	sadd.s32 $0x10, s16;
	(ifvalue) =	ssetifvalue $0x7FFFFFFF  }
0x14: {  	[tilespmem:s29], [sflag:$0x1] =	stream.indirect_vreg.gather [hbm4b:s3+s10], $0x1, v0, vm0, $0x4038;
	[tilespmem:$0x10000] =	vst v63  }
0x15: {  	_ =	swait.ge [sflag:s6], $0x4000  }
0x16: {  	s30 =	sshrl.u32 s13, $0x3;
	[sflag:s6] =	ssyncset.done $0x0  }
0x17: {  	s31 =	sand.u32 $0x7, s13;
	s15 =	sadd.s32 s5, s30;
	[sflag:s6] =	ssyncadd.s32 $0xFFFFC000  }
0x18: {  	[hbm4b:s15+s31] =	stream.linear.scatter [tilespmem:s14], [sflag:$0x3], $0x4000, $0x38;
	[tilespmem:$0x10000] =	vst v63  }
.LBB2_5:
0x19: {  	s15 =	sadd.s32 $0x80000, s11  }
0x1a: {  	p2 =	sgt.s32 s15, $0xFFFFF  }
0x1b: {  	s15 =	smov.u32 @p2 s2;
	p2 =	sne.s32 s12, s9  }
.Ltmp1:
0x1c: {  	p1 =	slt.u32 s12, $0x2;
	(pc) =	sbr.rel @!p2 .LBB2_6-.Ltmp1, $4  }
0x1d: {  	s14 =	simm.s32 @!p1 $0x3  }
0x1e: {  	s16 =	sadd.s32 $0x1, s12;
	_ =	swait.ge @!p1 [sflag:s14], $0x4000  }
0x1f: {  	s13 =	smov.u32 s11;
	p0 =	por !p0, !p0;
	[sflag:s14] =	ssyncset.done @!p1 $0x0  }
0x20: {  	s12 =	smov.u32 s16;
	s11 =	smov.u32 s15;
	[sflag:s14] =	ssyncadd.s32 @!p1 $0xFFFFC000  }
.LBB2_1:
0x21: {  	p1 =	sge.u32 s12, s8  }
0x22: {  	s14 =	sxor.u32 @!p1 $0xFFFFFFFF, s12  }
0x23: {  	s31 =	sadd.s32 $0xFFFFFFFF, s12;
	s15 =	sshrl.u32 @!p1 s11, $0x3;
	s14 =	sshll.u32 @!p1 s14, $0xE  }
0x24: {  	s16 =	sand.u32 @!p1 $0x7, s11;
	s15 =	sadd.s32 @!p1 s4, s15;
	s14 =	sand.u32 @!p1 $0x4000, s14  }
0x25: {  	[tilespmem:s14], [sflag:$0x2] =	stream.linear.gather @!p1 [hbm4b:s15+s16], $0x4000, $0x38;
	[tilespmem:$0x10000] =	vst v63  }
0x26: {  	p1 =	sge.u32 s31, s8  }
.Ltmp2:
0x27: {  	_ = 	snop;
	(pc) =	sbr.rel @p1 .LBB2_5-.Ltmp2, $1  }
0x28: {  	_ =	sdelay $0x3  }
0x29: {  	s14 =	simm.s32 $0x1  }
0x2a: {  	_ =	swait.ge [sflag:s7], $0x4000;
	s14 =	simm.s32 @!p0 $0x0  }
0x2b: {  	[sflag:s7] =	ssyncset.done $0x0;
	s14 =	sshll.u32 s14, $0xE  }
0x2c: {  	[sflag:s7] =	ssyncadd.s32 $0xFFFFC000;
	(ifvalue) =	ssetifvalue $0x7FFFFFFF;
	v0 =	vld.msk [tilespmem:s14+$0x0 ss:$0x1], $0xffff;
	_ =	sdelay $0x4  }
0x2d: {  	s15 =	sadd.s32 $0x10, s14;
	vm1 =	vgt.s32 v0, $0x0  }
0x2e: {  	v2 =	vld.msk [tilespmem:s15+$0x0 ss:$0x1], $0xffff;
	v1 =	vnsel vm1, $0x0, v0  }
0x2f: {  	v1 =	vmin.u32 v1, $0xFFFFF;
	_ =	sdelay $0x1  }
0x30: {  	s16 =	sshll.u32 s12, $0xE;
	s18 =	simm.s32 $0x20  }
0x31: {  	s16 =	sand.u32 $0x4000, s16;
	s17 =	sadd.s32 $0x10, s15;
	s15 =	sor.u32 $0x8000, s14  }
0x32: {  	s14 =	sor.u32 $0x8000, s16;
	s16 =	sadd.s32 $0x10, s15;
	v0 =	vld.msk [tilespmem:s17+$0x0 ss:$0x1], $0xffff;
	vm1 =	vgt.s32 v2, $0x0;
	(ifvalue) =	ssetifvalue $0x7FFFFFFF  }
.LBB2_3:
0x33: {  	[tilespmem:s15], [sflag:$0x1] =	stream.indirect_vreg.gather [hbm4b:s3+s10], $0x1, v1, vm0, $0x4038;
	[tilespmem:$0x10000] =	vst v63  }
0x34: {  	s18 =	sadd.s32 $0x10, s18  }
0x35: {  	v2 =	vnsel vm1, $0x0, v2;
	p1 =	slt.u32 s18, $0x3FF0  }
.Ltmp3:
0x36: {  	s15 =	smov.u32 s16;
	v1 =	vmin.u32 v2, $0xFFFFF;
	(pc) =	sbr.rel @p1 .LBB2_3-.Ltmp3, $3  }
0x37: {  	_ =	sdelay $0x1  }
0x38: {  	s17 =	sadd.s32 $0x10, s17  }
0x39: {  	vm1 =	vgt.s32 v0, $0x0;
	s16 =	sadd.s32 $0x10, s16;
	v2 =	vmov v0;
	(ifvalue) =	ssetifvalue $0x7FFFFFFF;
	v0 =	vld.msk [tilespmem:s17+$0x0 ss:$0x1], $0xffff  }
.Ltmp4:
0x3a: {  	_ = 	snop;
	(pc) =	sbr.rel .LBB2_4-.Ltmp4, $1  }
0x3b: {  	_ =	sdelay $0x3  }
.LBB2_6:
0x3c: {  	_ =	sfence.sel $0x180000  }
0x3d: {  	s2 =	simm.s32 $0x2;
	[bflag:$0x0] =	sbarrier.arrive $0xFFFF  }
0x3e: {  	s30 =	simm.s32 $0x3;
	[sflag:s2] =	ssyncpa.u1 $0x1  }
0x3f: {  	s31 =	simm.s32 $0x1;
	[sflag:s30] =	ssyncpa.u1 $0x1  }
0x40: {  	[sflag:s31] =	ssyncpa.u1 $0x1  }
0x41: {  	p0 =	sne.s32 s1, $0x0;
	_ =	strace $0x90000053  }
0x42: {  	s0 =	sadd.s32 @!p0 $0x100000, s0;
	[bflag:$0x2] =	sbarrier.arrive $0xFFFF  }
0x43: {  	[sflag:s0] =	ssyncadd.tile.s32 @!p0 $0x1;
	_ =	shalt  }
.Lfunc_end2:
_tile_overlayer_lowered:
.L_overlay_start_2:
0x44: {  	(tag) =	ssettag $0x2  }
0x45: {  	s0 =	rddreg [dreg:$0x0];
	s2 =	stileid.u32  }
0x46: {  	s1 =	rddreg [dreg:$0x1];
	p0 =	sne.s32 s2, $0x0  }
0x47: {  	s3 =	rddreg [dreg:$0x2];
	[bflag:$0x3] =	sbarrier.arrive $0xFFFF;
	s2 =	simm.s32 @!p0 $0x1C01  }
0x48: {  	[timem:s3], [sflag:s2] =	dma.local @!p0 [hbm:s0], s1  }
0x49: {  	s0 =	simm.s32 @!p0 $0x1  }
0x4a: {  	_ =	swait.ge @!p0 [sflag:s0], s1  }
0x4b: {  	s1 =	ssub.s32 @!p0 $0x0, s1;
	[sflag:s0] =	ssyncset.done @!p0 $0x0  }
0x4c: {  	[sflag:s0] =	ssyncadd.s32 @!p0 s1  }
0x4d: {  	[bflag:$0x3] =	sbarrier.arrive $0xFFFF  }
0x4e: {  	_ =	shalt  }

// kernel: gather_offload_async_start
scs
__scs_entry_jumppad:
0x0: {  	(pc) =	sbr.rel $0x88, $3  }
0x1: {  	(tag) =	ssettag $0x0;
	lr =	simm.s32 $0x1  }
0x2: {  	[smem:$0x3F9D] =	sst lr;
	_ =	strace $0xD0000000  }
0x3: {  	_ = 	snop  }
0x4: {  	_ = 	snop  }
0x5: {  	_ = 	snop  }
0x6: {  	_ = 	snop  }
0x7: {  	_ = 	snop  }
__scs_overlays_trampoline_lowered:
0x8: {  	[smem:$0x3FAC] =	sst s0  }
0x9: {  	[smem:$0x3FAD] =	sst s1  }
0xa: {  	[smem:$0x3FAE] =	sst s2  }
0xb: {  	[smem:$0x3FAF] =	sst s3  }
0xc: {  	[smem:$0x3FB0] =	sst s4  }
0xd: {  	[smem:$0x3FB1] =	sst s5  }
0xe: {  	[smem:$0x3FB2] =	sst s6  }
0xf: {  	[smem:$0x3FB3] =	sst s7  }
0x10: {  	[smem:$0x3FB4] =	sst s8  }
0x11: {  	[smem:$0x3FB5] =	sst s9;
	s0 =	simm.s32 @!p0 $0x0  }
0x12: {  	s1 =	sld [smem:$0x3F9B];
	s0 =	simm.s32 @p0 $0x1  }
0x13: {  	[smem:$0x3FB6] =	sst s0;
	s0 =	simm.s32 @!p1 $0x0  }
0x14: {  	s2 =	sld [smem:$0x3F9A];
	s0 =	simm.s32 @p1 $0x1  }
0x15: {  	[smem:$0x3FB7] =	sst s0;
	s0 =	simm.s32 @!p2 $0x0  }
0x16: {  	s3 =	sld [smem:$0x3FDB];
	s0 =	simm.s32 @p2 $0x1  }
0x17: {  	s4 =	simm.s32 $0x1BF5;
	[smem:$0x3FB9] =	sst s0  }
0x18: {  	s0 =	sld [smem:$0x3F9C];
	_ =	swait.ge [sflag:s4], $0x0  }
0x19: {  	s7 =	sld [smem:$0x3F9D]  }
0x1a: {  	s8 =	sadd.s32 $0xFFFFE003, lr  }
0x1b: {  	s9 =	sadd.s32 $0xFFFFFEF7, lr;
	s5 =	simm.s32 $0xFFFFFFFF;
	p2 =	slt.u32 s8, $0xFFFFF086  }
0x1c: {  	p1 =	slt.u32 s9, $0xF7A;
	s5 =	simm.s32 @!p2 $0x0  }
0x1d: {  	s5 =	simm.s32 @p1 $0x1;
	p0 =	seq.s32 s7, s2  }
0x1e: {  	s7 =	smul.u32 @!p0 $0xF7A, s2;
	p2 =	seq.s32 @!p0 s5, $0x0  }
0x1f: {  	s9 =	smul.u32 $0xF7A, s1;
	s8 =	simm.s32 @!p0 $0x1BF5;
	p2 =	por !p2, p0  }
0x20: {  	[sflag:s8] =	ssyncset.s32 @!p0 $0xFFFFF086;
	s6 =	sadd.s32 @!p0 s3, s7;
	s7 =	simm.s32 @!p0 $0x108  }
0x21: {  	s3 =	sadd.s32 s3, s9;
	s6 =	sadd.s32 @!p0 $0x88, s6;
	s7 =	simm.s32 @p2 $0x1082  }
0x22: {  	[simem:s7], [sflag:s8] =	dma.local @!p0 [hbm:s6], $0xF7A  }
0x23: {  	s9 =	sor.u32 $0xD0000000, s2;
	s6 =	simm.s32 $0x108;
	_ =	swait.ge @!p0 [sflag:s8], $0x0  }
0x24: {  	s3 =	sadd.s32 $0x88, s3;
	s6 =	simm.s32 @!p1 $0x1082;
	[sflag:s4] =	ssyncset.s32 $0xFFFFF086  }
0x25: {  	[simem:s6], [sflag:s4] =	dma.local [hbm:s3], $0xF7A  }
0x26: {  	[smem:$0x3F9D] =	sst s1;
	(tag) =	ssettag s2;
	_ =	strace s9  }
0x27: {  	s1 =	sld [smem:$0x3FAD]  }
0x28: {  	s2 =	sld [smem:$0x3FAE]  }
0x29: {  	s4 =	sld [smem:$0x3FB0]  }
0x2a: {  	p0 =	seq.s32 s5, $0x0;
	s5 =	sld [smem:$0x3FB1]  }
0x2b: {  	s6 =	sld [smem:$0x3FB2]  }
0x2c: {  	s7 =	sld [smem:$0x3FB3]  }
0x2d: {  	s3 =	simm.s32 $0x108;
	s8 =	sld [smem:$0x3FB4]  }
0x2e: {  	s3 =	simm.s32 @!p0 $0x1082;
	s9 =	sld [smem:$0x3FB5]  }
0x2f: {  	lr =	sadd.s32 s0, s3;
	s0 =	sld [smem:$0x3FAC]  }
0x30: {  	s3 =	sld [smem:$0x3FAF]  }
0x31: {  	[smem:$0x3FB8] =	sst s10  }
0x32: {  	s10 =	sld [smem:$0x3FB6];
	_ =	sdelay $0x3  }
0x33: {  	p0 =	seq.s32 s10, $0x1;
	s10 =	sld [smem:$0x3FB8];
	_ =	sdelay $0x3  }
0x34: {  	[smem:$0x3FB8] =	sst s10  }
0x35: {  	s10 =	sld [smem:$0x3FB7];
	_ =	sdelay $0x3  }
0x36: {  	p1 =	seq.s32 s10, $0x1;
	s10 =	sld [smem:$0x3FB8];
	_ =	sdelay $0x3  }
0x37: {  	[smem:$0x3FB8] =	sst s10  }
0x38: {  	s10 =	sld [smem:$0x3FB9]  }
0x39: {  	_ = 	snop;
	(pc) =	sbr.ind lr, $3  }
0x3a: {  	_ = 	snop  }
0x3b: {  	_ = 	snop  }
0x3c: {  	p2 =	seq.s32 s10, $0x1;
	s10 =	sld [smem:$0x3FB8]  }
0x3d: {  	_ =	shalt  }
0x3e: {  	_ =	shalt  }
0x3f: {  	_ =	shalt  }
0x40: {  	_ =	shalt  }
0x41: {  	_ =	shalt  }
0x42: {  	_ =	shalt  }
0x43: {  	_ =	shalt  }
0x44: {  	_ =	shalt  }
0x45: {  	_ =	shalt  }
0x46: {  	_ =	shalt  }
0x47: {  	_ =	shalt  }
0x48: {  	_ =	shalt  }
0x49: {  	_ =	shalt  }
0x4a: {  	_ =	shalt  }
0x4b: {  	_ =	shalt  }
0x4c: {  	_ =	shalt  }
0x4d: {  	_ =	shalt  }
0x4e: {  	_ =	shalt  }
0x4f: {  	_ =	shalt  }
0x50: {  	_ =	shalt  }
0x51: {  	_ =	shalt  }
0x52: {  	_ =	shalt  }
0x53: {  	_ =	shalt  }
0x54: {  	_ =	shalt  }
0x55: {  	_ =	shalt  }
0x56: {  	_ =	shalt  }
0x57: {  	_ =	shalt  }
0x58: {  	_ =	shalt  }
0x59: {  	_ =	shalt  }
0x5a: {  	_ =	shalt  }
0x5b: {  	_ =	shalt  }
0x5c: {  	_ =	shalt  }
0x5d: {  	_ =	shalt  }
0x5e: {  	_ =	shalt  }
0x5f: {  	_ =	shalt  }
0x60: {  	_ =	shalt  }
0x61: {  	_ =	shalt  }
0x62: {  	_ =	shalt  }
0x63: {  	_ =	shalt  }
0x64: {  	_ =	shalt  }
0x65: {  	_ =	shalt  }
0x66: {  	_ =	shalt  }
0x67: {  	_ =	shalt  }
0x68: {  	_ =	shalt  }
0x69: {  	_ =	shalt  }
0x6a: {  	_ =	shalt  }
0x6b: {  	_ =	shalt  }
0x6c: {  	_ =	shalt  }
0x6d: {  	_ =	shalt  }
0x6e: {  	_ =	shalt  }
0x6f: {  	_ =	shalt  }
0x70: {  	_ =	shalt  }
0x71: {  	_ =	shalt  }
0x72: {  	_ =	shalt  }
0x73: {  	_ =	shalt  }
0x74: {  	_ =	shalt  }
0x75: {  	_ =	shalt  }
0x76: {  	_ =	shalt  }
0x77: {  	_ =	shalt  }
0x78: {  	_ =	shalt  }
0x79: {  	_ =	shalt  }
0x7a: {  	_ =	shalt  }
0x7b: {  	_ =	shalt  }
0x7c: {  	_ =	shalt  }
0x7d: {  	_ =	shalt  }
0x7e: {  	_ =	shalt  }
0x7f: {  	_ =	shalt  }
0x80: {  	_ =	shalt  }
0x81: {  	_ =	shalt  }
0x82: {  	_ =	shalt  }
0x83: {  	_ =	shalt  }
0x84: {  	_ =	shalt  }
0x85: {  	_ =	shalt  }
0x86: {  	_ =	shalt  }
0x87: {  	_ =	shalt  }
.Lfunc_end0:
.L_simem_size_0:
called_computation_lowered:
.L_overlay_start_0:
0x88: {  	s2 =	sld [smem:$0x3FD9]  }
0x89: {  	s3 =	sld [smem:$0x3FFE];
	_ =	sdelay $0x1  }
0x8a: {  	s1 =	srdreg.scid  }
0x8b: {  	s0 =	sand.u32 $0x1, s1  }
0x8c: {  	s16 =	sshll.u32 s0, $0xA;
	s2 =	sadd.s32 s3, s2  }
0x8d: {  	s2 =	sadd.s32 s2, s16  }
0x8e: {  	[smem:$0x3FC4] =	sst s2  }
0x8f: {  	_ = 	snop  }
0x90: {  	(tm) =	ssettm $0x1  }
0x91: {  	s17 =	sld [smem:$0x3FFB];
	_ =	sdelay $0x3  }
0x92: {  	_ =	strace s17  }
0x93: {  	s2 =	sld [smem:$0x3FFC];
	_ =	sdelay $0x3  }
0x94: {  	_ =	strace s2  }
0x95: {  	s2 =	sld [smem:$0x3FFD];
	_ =	sdelay $0x3  }
0x96: {  	_ =	strace s2  }
0x97: {  	_ =	strace $0x8FFFFFFF  }
0x98: {  	s18 =	sld [smem:$0x3FDB];
	_ =	sdelay $0x1  }
0x99: {  	s19 =	simm.s32 $_scs_section_size  }
0x9a: {  	s4 =	simm.s32 $_size__tile_overlayer_lowered;
	s5 =	simm.s32 $_tile_overlayer_lowered  }
0x9b: {  	s22 =	simm.s32 $0x1BFF;
	s21 =	sshll.u32 s5, $0x1;
	s2 =	sadd.s32 s19, s18  }
0x9c: {  	s6 =	simm.s32 $0x0;
	s20 =	sshll.u32 s4, $0x1;
	s4 =	sadd.s32 s21, s2  }
0x9d: {  	[timem:s6], [sflag:s22] =	dma.local [hbm:s4], s20  }
0x9e: {  	_ =	swait.ge [sflag:s22], s20  }
0x9f: {  	s3 =	ssub.s32 $0x0, s20;
	[sflag:s22] =	ssyncset.done $0x0  }
0xa0: {  	[sflag:s22] =	ssyncadd.s32 s3;
	_ =	sdelay $0x1  }
0xa1: {  	s23 =	simm.s32 $0x1B8B  }
0xa2: {  	_ =	swait.ge [sflag:s23], $0x1  }
0xa3: {  	[sflag:s23] =	ssyncset.done $0x0  }
0xa4: {  	s25 =	simm.s32 $0x1B8E;
	s24 =	sld [smem:$0x3FFE];
	[sflag:s23] =	ssyncadd.s32 $0xFFFFFFFF  }
0xa5: {  	s26 =	simm.s32 $execute0_lowered;
	[smem:$0x3FD2] =	sst s25  }
0xa6: {  	s4 =	sshll.u32 s26, $0x1;
	_ =	strace $0x80000049;
	[dreg:$0x1] =	wrdreg $0xFFFFFFFF  }
0xa7: {  	s28 =	simm.s32 $_size_execute0_lowered;
	s2 =	sadd.s32 s2, s4;
	[dreg:$0x0] =	wrdreg $0x0  }
0xa8: {  	s4 =	sshll.u32 s28, $0x1;
	[dreg:$0x2] =	wrdreg s2  }
0xa9: {  	[dreg:$0x3] =	wrdreg s4  }
0xaa: {  	[dreg:$0x4] =	wrdreg $0xC0  }
0xab: {  	_ =	task [dreg:s6], $0x5FFFF  }
0xac: {  	[dreg:$0x1] =	wrdreg $0xFFFFFFFF  }
0xad: {  	[dreg:$0x0] =	wrdreg $0x60  }
0xae: {  	[dreg:$0x2] =	wrdreg s24  }
0xaf: {  	[dreg:$0x3] =	wrdreg $0x9  }
0xb0: {  	_ =	task.clear_ibuf [dreg:s6], $0x4FFFF;
	_ =	strace $0x90000049  }
0xb1: {  	s29 =	simm.s32 $0x9;
	_ =	strace $0x8000004B  }
0xb2: {  	_ =	swait.ge [sflag:s29], $0x1  }
0xb3: {  	[sflag:s29] =	ssyncadd.s32 $0xFFFFFFFF  }
0xb4: {  	_ =	strace $0x9000004B  }
0xb5: {  	_ =	sfence  }
0xb6: {  	s30 =	sld [smem:$0x0];
	_ =	sdelay $0x2  }
0xb7: {  	s31 =	sshll.u32 s1, $0xD;
	s1 =	sshrl.u32 s1, $0x2  }
0xb8: {  	s3 =	sand.u32 $0x4000, s31;
	s1 =	sadd.s32 s1, s30  }
0xb9: {  	s0 =	sor.u32 s3, s0;
	s1 =	sshll.u32 s1, $0x11  }
0xba: {  	s0 =	sor.u32 s1, s0  }
0xbb: {  	s0 =	sadd.s32 $0x8F2B, s0  }
0xbc: {  	[sflag:s0] =	ssyncadd.remote.s32 $0x1  }
0xbd: {  	_ =	sfence.sel $0xFFFF  }
0xbe: {  	[dreg:$0x0] =	wrdreg $0xFFFFFFFF;
	(pc) =	sbr.abs _section_cstart, $3  }
0xbf: {  	[dreg:$0x1] =	wrdreg $0xFFFFFFFF  }
0xc0: {  	_ =	task.clear_ibuf [dreg:s6], $0x2FFFF;
	_ =	strace $0x9FFFFFFF  }
0xc1: {  	(tm) =	ssettm $0x7FFFFFFF  }
tec
execute0_lowered:
.L_overlay_start_1:
0x0: {  	(tag) =	ssettag $0x1  }
0x1: {  	s1 =	srdreg.scid  }
0x2: {  	s0 =	stileid.u32;
	s2 =	rddreg [dreg:$0x0];
	s6 =	simm.s32 $0x1  }
0x3: {  	s9 =	simm.s32 $0x1;
	s10 =	simm.s32 $0x3;
	s1 =	sshll.u32 s1, $0xE  }
0x4: {  	s13 =	simm.s32 $0x0;
	s3 =	sshll.u32 s0, $0xF;
	s4 =	sand.u32 $0x4000, s1  }
0x5: {  	s12 =	simm.s32 $0x0;
	s5 =	sadd.s32 $0x40200, s2;
	s3 =	sor.u32 s3, s4  }
0x6: {  	s1 =	rddreg [dreg:$0x1];
	_ =	strace $0x8000004A;
	s8 =	ssub.s32 $0x100000, s3  }
.Ltmp0:
0x7: {  	s4 =	sadd.s32 $0xC0200, s2;
	s7 =	sand.u32 $0x7C000, s8;
	(pc) =	sbr.rel .LBB2_1-.Ltmp0, $4  }
0x8: {  	[sflag:s6] =	ssyncpa.u1 $0x0;
	s11 =	smov.u32 s3;
	p0 =	sne.s32 s7, $0x0  }
0x9: {  	s8 =	sshrl.u32 s8, $0x13;
	s7 =	simm.s32 $0x2;
	s9 =	simm.s32 @!p0 $0x0  }
0xa: {  	[sflag:s7] =	ssyncpa.u1 $0x0;
	p0 =	por $0x0, $0x0;
	s8 =	sadd.s32 s9, s8  }
0xb: {  	vm0 =	vmmov $0xffff;
	[sflag:s10] =	ssyncpa.u1 $0x0;
	s10 =	simm.s32 $0x0;
	s9 =	sadd.s32 $0x1, s8  }
.LBB2_4:
0xc: {  	v2 =	vnsel vm1, $0x0, v2  }
0xd: {  	vm1 =	vgt.s32 v0, $0x0;
	v2 =	vmin.u32 v2, $0xFFFFF  }
0xe: {  	v0 =	vnsel vm1, $0x0, v0  }
0xf: {  	v0 =	vmin.u32 v0, $0xFFFFF  }
0x10: {  	[tilespmem:s15], [sflag:$0x1] =	stream.indirect_vreg.gather [hbm4b:s4+s10], $0x1, v1, vm0, $0x4038;
	[tilespmem:$0x10000] =	vst v63  }
0x11: {  	(ifvalue) =	ssetifvalue $0x7FFFFFFF  }
0x12: {  	[tilespmem:s16], [sflag:$0x1] =	stream.indirect_vreg.gather [hbm4b:s4+s10], $0x1, v2, vm0, $0x4038;
	[tilespmem:$0x10000] =	vst v63  }
0x13: {  	s29 =	sadd.s32 $0x10, s16;
	(ifvalue) =	ssetifvalue $0x7FFFFFFF  }
0x14: {  	[tilespmem:s29], [sflag:$0x1] =	stream.indirect_vreg.gather [hbm4b:s4+s10], $0x1, v0, vm0, $0x4038;
	[tilespmem:$0x10000] =	vst v63  }
0x15: {  	_ =	swait.ge [sflag:s6], $0x4000  }
0x16: {  	s30 =	sshrl.u32 s13, $0x3;
	[sflag:s6] =	ssyncset.done $0x0  }
0x17: {  	s31 =	sand.u32 $0x7, s13;
	s15 =	sadd.s32 s2, s30;
	[sflag:s6] =	ssyncadd.s32 $0xFFFFC000  }
0x18: {  	[hbm4b:s15+s31] =	stream.linear.scatter [tilespmem:s14], [sflag:$0x3], $0x4000, $0x38;
	[tilespmem:$0x10000] =	vst v63  }
.LBB2_5:
0x19: {  	s15 =	sadd.s32 $0x80000, s11  }
0x1a: {  	p2 =	sgt.s32 s15, $0xFFFFF  }
0x1b: {  	s15 =	smov.u32 @p2 s3;
	p2 =	sne.s32 s12, s9  }
.Ltmp1:
0x1c: {  	p1 =	slt.u32 s12, $0x2;
	(pc) =	sbr.rel @!p2 .LBB2_6-.Ltmp1, $4  }
0x1d: {  	s14 =	simm.s32 @!p1 $0x3  }
0x1e: {  	s16 =	sadd.s32 $0x1, s12;
	_ =	swait.ge @!p1 [sflag:s14], $0x4000  }
0x1f: {  	s13 =	smov.u32 s11;
	p0 =	por !p0, !p0;
	[sflag:s14] =	ssyncset.done @!p1 $0x0  }
0x20: {  	s12 =	smov.u32 s16;
	s11 =	smov.u32 s15;
	[sflag:s14] =	ssyncadd.s32 @!p1 $0xFFFFC000  }
.LBB2_1:
0x21: {  	p1 =	sge.u32 s12, s8  }
0x22: {  	s14 =	sxor.u32 @!p1 $0xFFFFFFFF, s12  }
0x23: {  	s31 =	sadd.s32 $0xFFFFFFFF, s12;
	s15 =	sshrl.u32 @!p1 s11, $0x3;
	s14 =	sshll.u32 @!p1 s14, $0xE  }
0x24: {  	s16 =	sand.u32 @!p1 $0x7, s11;
	s15 =	sadd.s32 @!p1 s5, s15;
	s14 =	sand.u32 @!p1 $0x4000, s14  }
0x25: {  	[tilespmem:s14], [sflag:$0x2] =	stream.linear.gather @!p1 [hbm4b:s15+s16], $0x4000, $0x38;
	[tilespmem:$0x10000] =	vst v63  }
0x26: {  	p1 =	sge.u32 s31, s8  }
.Ltmp2:
0x27: {  	_ = 	snop;
	(pc) =	sbr.rel @p1 .LBB2_5-.Ltmp2, $1  }
0x28: {  	_ =	sdelay $0x3  }
0x29: {  	s14 =	simm.s32 $0x1  }
0x2a: {  	_ =	swait.ge [sflag:s7], $0x4000;
	s14 =	simm.s32 @!p0 $0x0  }
0x2b: {  	[sflag:s7] =	ssyncset.done $0x0;
	s14 =	sshll.u32 s14, $0xE  }
0x2c: {  	[sflag:s7] =	ssyncadd.s32 $0xFFFFC000;
	(ifvalue) =	ssetifvalue $0x7FFFFFFF;
	v0 =	vld.msk [tilespmem:s14+$0x0 ss:$0x1], $0xffff;
	_ =	sdelay $0x4  }
0x2d: {  	s15 =	sadd.s32 $0x10, s14;
	vm1 =	vgt.s32 v0, $0x0  }
0x2e: {  	v2 =	vld.msk [tilespmem:s15+$0x0 ss:$0x1], $0xffff;
	v1 =	vnsel vm1, $0x0, v0  }
0x2f: {  	v1 =	vmin.u32 v1, $0xFFFFF;
	_ =	sdelay $0x1  }
0x30: {  	s16 =	sshll.u32 s12, $0xE;
	s18 =	simm.s32 $0x20  }
0x31: {  	s16 =	sand.u32 $0x4000, s16;
	s17 =	sadd.s32 $0x10, s15;
	s15 =	sor.u32 $0x8000, s14  }
0x32: {  	s14 =	sor.u32 $0x8000, s16;
	s16 =	sadd.s32 $0x10, s15;
	v0 =	vld.msk [tilespmem:s17+$0x0 ss:$0x1], $0xffff;
	vm1 =	vgt.s32 v2, $0x0;
	(ifvalue) =	ssetifvalue $0x7FFFFFFF  }
.LBB2_3:
0x33: {  	[tilespmem:s15], [sflag:$0x1] =	stream.indirect_vreg.gather [hbm4b:s4+s10], $0x1, v1, vm0, $0x4038;
	[tilespmem:$0x10000] =	vst v63  }
0x34: {  	s18 =	sadd.s32 $0x10, s18  }
0x35: {  	v2 =	vnsel vm1, $0x0, v2;
	p1 =	slt.u32 s18, $0x3FF0  }
.Ltmp3:
0x36: {  	s15 =	smov.u32 s16;
	v1 =	vmin.u32 v2, $0xFFFFF;
	(pc) =	sbr.rel @p1 .LBB2_3-.Ltmp3, $3  }
0x37: {  	_ =	sdelay $0x1  }
0x38: {  	s17 =	sadd.s32 $0x10, s17  }
0x39: {  	vm1 =	vgt.s32 v0, $0x0;
	s16 =	sadd.s32 $0x10, s16;
	v2 =	vmov v0;
	(ifvalue) =	ssetifvalue $0x7FFFFFFF;
	v0 =	vld.msk [tilespmem:s17+$0x0 ss:$0x1], $0xffff  }
.Ltmp4:
0x3a: {  	_ = 	snop;
	(pc) =	sbr.rel .LBB2_4-.Ltmp4, $1  }
0x3b: {  	_ =	sdelay $0x3  }
.LBB2_6:
0x3c: {  	_ =	sfence.sel $0x180000  }
0x3d: {  	s2 =	simm.s32 $0x2;
	[bflag:$0x0] =	sbarrier.arrive $0xFFFF  }
0x3e: {  	s30 =	simm.s32 $0x3;
	[sflag:s2] =	ssyncpa.u1 $0x1  }
0x3f: {  	s31 =	simm.s32 $0x1;
	[sflag:s30] =	ssyncpa.u1 $0x1  }
0x40: {  	[sflag:s31] =	ssyncpa.u1 $0x1  }
0x41: {  	p0 =	sne.s32 s0, $0x0;
	_ =	strace $0x9000004A  }
0x42: {  	s0 =	sadd.s32 @!p0 $0x100000, s1;
	[bflag:$0x2] =	sbarrier.arrive $0xFFFF  }
0x43: {  	[sflag:s0] =	ssyncadd.tile.s32 @!p0 $0x1;
	_ =	shalt  }
.Lfunc_end2:
_tile_overlayer_lowered:
.L_overlay_start_2:
0x44: {  	(tag) =	ssettag $0x2  }
0x45: {  	s0 =	rddreg [dreg:$0x0];
	s2 =	stileid.u32  }
0x46: {  	s1 =	rddreg [dreg:$0x1];
	p0 =	sne.s32 s2, $0x0  }
0x47: {  	s3 =	rddreg [dreg:$0x2];
	[bflag:$0x3] =	sbarrier.arrive $0xFFFF;
	s2 =	simm.s32 @!p0 $0x1C01  }
0x48: {  	[timem:s3], [sflag:s2] =	dma.local @!p0 [hbm:s0], s1  }
0x49: {  	s0 =	simm.s32 @!p0 $0x1  }
0x4a: {  	_ =	swait.ge @!p0 [sflag:s0], s1  }
0x4b: {  	s1 =	ssub.s32 @!p0 $0x0, s1;
	[sflag:s0] =	ssyncset.done @!p0 $0x0  }
0x4c: {  	[sflag:s0] =	ssyncadd.s32 @!p0 s1  }
0x4d: {  	[bflag:$0x3] =	sbarrier.arrive $0xFFFF  }
0x4e: {  	_ =	shalt  }

// kernel: kernel.4.cloned.1.call-start
scs
__scs_entry_jumppad:
0x0: {  	(pc) =	sbr.rel $0x88, $3  }
0x1: {  	(tag) =	ssettag $0x0;
	lr =	simm.s32 $0x1  }
0x2: {  	[smem:$0x3F9D] =	sst lr;
	_ =	strace $0xD0000000  }
0x3: {  	_ = 	snop  }
0x4: {  	_ = 	snop  }
0x5: {  	_ = 	snop  }
0x6: {  	_ = 	snop  }
0x7: {  	_ = 	snop  }
__scs_overlays_trampoline_lowered:
0x8: {  	[smem:$0x3FAC] =	sst s0  }
0x9: {  	[smem:$0x3FAD] =	sst s1  }
0xa: {  	[smem:$0x3FAE] =	sst s2  }
0xb: {  	[smem:$0x3FAF] =	sst s3  }
0xc: {  	[smem:$0x3FB0] =	sst s4  }
0xd: {  	[smem:$0x3FB1] =	sst s5  }
0xe: {  	[smem:$0x3FB2] =	sst s6  }
0xf: {  	[smem:$0x3FB3] =	sst s7  }
0x10: {  	[smem:$0x3FB4] =	sst s8  }
0x11: {  	[smem:$0x3FB5] =	sst s9;
	s0 =	simm.s32 @!p0 $0x0  }
0x12: {  	s1 =	sld [smem:$0x3F9B];
	s0 =	simm.s32 @p0 $0x1  }
0x13: {  	[smem:$0x3FB6] =	sst s0;
	s0 =	simm.s32 @!p1 $0x0  }
0x14: {  	s2 =	sld [smem:$0x3F9A];
	s0 =	simm.s32 @p1 $0x1  }
0x15: {  	[smem:$0x3FB7] =	sst s0;
	s0 =	simm.s32 @!p2 $0x0  }
0x16: {  	s3 =	sld [smem:$0x3FDB];
	s0 =	simm.s32 @p2 $0x1  }
0x17: {  	s4 =	simm.s32 $0x1BF5;
	[smem:$0x3FB9] =	sst s0  }
0x18: {  	s0 =	sld [smem:$0x3F9C];
	_ =	swait.ge [sflag:s4], $0x0  }
0x19: {  	s7 =	sld [smem:$0x3F9D]  }
0x1a: {  	s8 =	sadd.s32 $0xFFFFE003, lr  }
0x1b: {  	s9 =	sadd.s32 $0xFFFFFEF7, lr;
	s5 =	simm.s32 $0xFFFFFFFF;
	p2 =	slt.u32 s8, $0xFFFFF086  }
0x1c: {  	p1 =	slt.u32 s9, $0xF7A;
	s5 =	simm.s32 @!p2 $0x0  }
0x1d: {  	s5 =	simm.s32 @p1 $0x1;
	p0 =	seq.s32 s7, s2  }
0x1e: {  	s7 =	smul.u32 @!p0 $0xF7A, s2;
	p2 =	seq.s32 @!p0 s5, $0x0  }
0x1f: {  	s9 =	smul.u32 $0xF7A, s1;
	s8 =	simm.s32 @!p0 $0x1BF5;
	p2 =	por !p2, p0  }
0x20: {  	[sflag:s8] =	ssyncset.s32 @!p0 $0xFFFFF086;
	s6 =	sadd.s32 @!p0 s3, s7;
	s7 =	simm.s32 @!p0 $0x108  }
0x21: {  	s3 =	sadd.s32 s3, s9;
	s6 =	sadd.s32 @!p0 $0x88, s6;
	s7 =	simm.s32 @p2 $0x1082  }
0x22: {  	[simem:s7], [sflag:s8] =	dma.local @!p0 [hbm:s6], $0xF7A  }
0x23: {  	s9 =	sor.u32 $0xD0000000, s2;
	s6 =	simm.s32 $0x108;
	_ =	swait.ge @!p0 [sflag:s8], $0x0  }
0x24: {  	s3 =	sadd.s32 $0x88, s3;
	s6 =	simm.s32 @!p1 $0x1082;
	[sflag:s4] =	ssyncset.s32 $0xFFFFF086  }
0x25: {  	[simem:s6], [sflag:s4] =	dma.local [hbm:s3], $0xF7A  }
0x26: {  	[smem:$0x3F9D] =	sst s1;
	(tag) =	ssettag s2;
	_ =	strace s9  }
0x27: {  	s1 =	sld [smem:$0x3FAD]  }
0x28: {  	s2 =	sld [smem:$0x3FAE]  }
0x29: {  	s4 =	sld [smem:$0x3FB0]  }
0x2a: {  	p0 =	seq.s32 s5, $0x0;
	s5 =	sld [smem:$0x3FB1]  }
0x2b: {  	s6 =	sld [smem:$0x3FB2]  }
0x2c: {  	s7 =	sld [smem:$0x3FB3]  }
0x2d: {  	s3 =	simm.s32 $0x108;
	s8 =	sld [smem:$0x3FB4]  }
0x2e: {  	s3 =	simm.s32 @!p0 $0x1082;
	s9 =	sld [smem:$0x3FB5]  }
0x2f: {  	lr =	sadd.s32 s0, s3;
	s0 =	sld [smem:$0x3FAC]  }
0x30: {  	s3 =	sld [smem:$0x3FAF]  }
0x31: {  	[smem:$0x3FB8] =	sst s10  }
0x32: {  	s10 =	sld [smem:$0x3FB6];
	_ =	sdelay $0x3  }
0x33: {  	p0 =	seq.s32 s10, $0x1;
	s10 =	sld [smem:$0x3FB8];
	_ =	sdelay $0x3  }
0x34: {  	[smem:$0x3FB8] =	sst s10  }
0x35: {  	s10 =	sld [smem:$0x3FB7];
	_ =	sdelay $0x3  }
0x36: {  	p1 =	seq.s32 s10, $0x1;
	s10 =	sld [smem:$0x3FB8];
	_ =	sdelay $0x3  }
0x37: {  	[smem:$0x3FB8] =	sst s10  }
0x38: {  	s10 =	sld [smem:$0x3FB9]  }
0x39: {  	_ = 	snop;
	(pc) =	sbr.ind lr, $3  }
0x3a: {  	_ = 	snop  }
0x3b: {  	_ = 	snop  }
0x3c: {  	p2 =	seq.s32 s10, $0x1;
	s10 =	sld [smem:$0x3FB8]  }
0x3d: {  	_ =	shalt  }
0x3e: {  	_ =	shalt  }
0x3f: {  	_ =	shalt  }
0x40: {  	_ =	shalt  }
0x41: {  	_ =	shalt  }
0x42: {  	_ =	shalt  }
0x43: {  	_ =	shalt  }
0x44: {  	_ =	shalt  }
0x45: {  	_ =	shalt  }
0x46: {  	_ =	shalt  }
0x47: {  	_ =	shalt  }
0x48: {  	_ =	shalt  }
0x49: {  	_ =	shalt  }
0x4a: {  	_ =	shalt  }
0x4b: {  	_ =	shalt  }
0x4c: {  	_ =	shalt  }
0x4d: {  	_ =	shalt  }
0x4e: {  	_ =	shalt  }
0x4f: {  	_ =	shalt  }
0x50: {  	_ =	shalt  }
0x51: {  	_ =	shalt  }
0x52: {  	_ =	shalt  }
0x53: {  	_ =	shalt  }
0x54: {  	_ =	shalt  }
0x55: {  	_ =	shalt  }
0x56: {  	_ =	shalt  }
0x57: {  	_ =	shalt  }
0x58: {  	_ =	shalt  }
0x59: {  	_ =	shalt  }
0x5a: {  	_ =	shalt  }
0x5b: {  	_ =	shalt  }
0x5c: {  	_ =	shalt  }
0x5d: {  	_ =	shalt  }
0x5e: {  	_ =	shalt  }
0x5f: {  	_ =	shalt  }
0x60: {  	_ =	shalt  }
0x61: {  	_ =	shalt  }
0x62: {  	_ =	shalt  }
0x63: {  	_ =	shalt  }
0x64: {  	_ =	shalt  }
0x65: {  	_ =	shalt  }
0x66: {  	_ =	shalt  }
0x67: {  	_ =	shalt  }
0x68: {  	_ =	shalt  }
0x69: {  	_ =	shalt  }
0x6a: {  	_ =	shalt  }
0x6b: {  	_ =	shalt  }
0x6c: {  	_ =	shalt  }
0x6d: {  	_ =	shalt  }
0x6e: {  	_ =	shalt  }
0x6f: {  	_ =	shalt  }
0x70: {  	_ =	shalt  }
0x71: {  	_ =	shalt  }
0x72: {  	_ =	shalt  }
0x73: {  	_ =	shalt  }
0x74: {  	_ =	shalt  }
0x75: {  	_ =	shalt  }
0x76: {  	_ =	shalt  }
0x77: {  	_ =	shalt  }
0x78: {  	_ =	shalt  }
0x79: {  	_ =	shalt  }
0x7a: {  	_ =	shalt  }
0x7b: {  	_ =	shalt  }
0x7c: {  	_ =	shalt  }
0x7d: {  	_ =	shalt  }
0x7e: {  	_ =	shalt  }
0x7f: {  	_ =	shalt  }
0x80: {  	_ =	shalt  }
0x81: {  	_ =	shalt  }
0x82: {  	_ =	shalt  }
0x83: {  	_ =	shalt  }
0x84: {  	_ =	shalt  }
0x85: {  	_ =	shalt  }
0x86: {  	_ =	shalt  }
0x87: {  	_ =	shalt  }
.Lfunc_end0:
.L_simem_size_0:
called_computation.4_lowered:
.L_overlay_start_0:
0x88: {  	s2 =	sld [smem:$0x3FD9]  }
0x89: {  	s3 =	sld [smem:$0x3FFE];
	_ =	sdelay $0x1  }
0x8a: {  	s1 =	srdreg.scid  }
0x8b: {  	s0 =	sand.u32 $0x1, s1  }
0x8c: {  	s17 =	sshll.u32 s0, $0xA;
	s2 =	sadd.s32 s3, s2  }
0x8d: {  	s2 =	sadd.s32 s2, s17  }
0x8e: {  	[smem:$0x3FC4] =	sst s2  }
0x8f: {  	_ = 	snop  }
0x90: {  	s2 =	sld [smem:$0x3FC9]  }
0x91: {  	s18 =	sld [smem:$0x3FC8];
	(tm) =	ssettm $0x1  }
0x92: {  	s4 =	sld [smem:$0x3FFB];
	_ =	sdelay $0x3  }
0x93: {  	_ =	strace s4  }
0x94: {  	s4 =	sld [smem:$0x3FFC];
	_ =	sdelay $0x3  }
0x95: {  	_ =	strace s4  }
0x96: {  	s4 =	sld [smem:$0x3FFD];
	_ =	sdelay $0x3  }
0x97: {  	_ =	strace s4  }
0x98: {  	_ =	strace $0x8FFFFFFF  }
0x99: {  	s19 =	sld [smem:$0x3FDB];
	_ =	sdelay $0x1  }
0x9a: {  	s5 =	simm.s32 $_scs_section_size  }
0x9b: {  	s6 =	simm.s32 $_size__tile_overlayer_lowered;
	s7 =	simm.s32 $_tile_overlayer_lowered  }
0x9c: {  	s22 =	simm.s32 $0x1BFF;
	s21 =	sshll.u32 s7, $0x1;
	s4 =	sadd.s32 s5, s19  }
0x9d: {  	s8 =	simm.s32 $0x0;
	s20 =	sshll.u32 s6, $0x1;
	s6 =	sadd.s32 s21, s4  }
0x9e: {  	[timem:s8], [sflag:s22] =	dma.local [hbm:s6], s20  }
0x9f: {  	_ =	swait.ge [sflag:s22], s20  }
0xa0: {  	s5 =	ssub.s32 $0x0, s20;
	[sflag:s22] =	ssyncset.done $0x0  }
0xa1: {  	[sflag:s22] =	ssyncadd.s32 s5;
	_ =	sdelay $0x1  }
0xa2: {  	s23 =	simm.s32 $0x1B8B  }
0xa3: {  	_ =	swait.ge [sflag:s23], $0x1  }
0xa4: {  	[sflag:s23] =	ssyncset.done $0x0  }
0xa5: {  	s25 =	simm.s32 $0x1B8E;
	s24 =	sld [smem:$0x3FFE];
	[sflag:s23] =	ssyncadd.s32 $0xFFFFFFFF  }
0xa6: {  	s26 =	simm.s32 $execute0_lowered;
	[smem:$0x3FD2] =	sst s25  }
0xa7: {  	s6 =	sshll.u32 s26, $0x1;
	_ =	strace $0x80000046;
	[dreg:$0x1] =	wrdreg $0xFFFFFFFF  }
0xa8: {  	s28 =	simm.s32 $_size_execute0_lowered;
	s4 =	sadd.s32 s4, s6;
	[dreg:$0x0] =	wrdreg $0x0  }
0xa9: {  	s6 =	sshll.u32 s28, $0x1;
	[dreg:$0x2] =	wrdreg s4  }
0xaa: {  	[dreg:$0x3] =	wrdreg s6  }
0xab: {  	[dreg:$0x4] =	wrdreg $0xC0  }
0xac: {  	_ =	task [dreg:s8], $0x5FFFF  }
0xad: {  	[dreg:$0x1] =	wrdreg $0xFFFFFFFF  }
0xae: {  	[dreg:$0x0] =	wrdreg $0x60  }
0xaf: {  	[dreg:$0x2] =	wrdreg s2  }
0xb0: {  	[dreg:$0x3] =	wrdreg s18  }
0xb1: {  	[dreg:$0x4] =	wrdreg s24  }
0xb2: {  	[dreg:$0x5] =	wrdreg $0x9  }
0xb3: {  	_ =	task.clear_ibuf [dreg:s8], $0x6FFFF;
	_ =	strace $0x90000046  }
0xb4: {  	s29 =	simm.s32 $0x9;
	_ =	strace $0x80000048  }
0xb5: {  	_ =	swait.ge [sflag:s29], $0x1  }
0xb6: {  	[sflag:s29] =	ssyncadd.s32 $0xFFFFFFFF  }
0xb7: {  	_ =	strace $0x90000048  }
0xb8: {  	_ =	sfence  }
0xb9: {  	s30 =	sld [smem:$0x0];
	_ =	sdelay $0x2  }
0xba: {  	s31 =	sshll.u32 s1, $0xD;
	s1 =	sshrl.u32 s1, $0x2  }
0xbb: {  	s3 =	sand.u32 $0x4000, s31;
	s1 =	sadd.s32 s1, s30  }
0xbc: {  	s0 =	sor.u32 s3, s0;
	s1 =	sshll.u32 s1, $0x11  }
0xbd: {  	s0 =	sor.u32 s1, s0  }
0xbe: {  	s0 =	sadd.s32 $0x8F2B, s0  }
0xbf: {  	[sflag:s0] =	ssyncadd.remote.s32 $0x1  }
0xc0: {  	_ =	sfence.sel $0xFFFF  }
0xc1: {  	[dreg:$0x0] =	wrdreg $0xFFFFFFFF;
	(pc) =	sbr.abs _section_cstart, $3  }
0xc2: {  	[dreg:$0x1] =	wrdreg $0xFFFFFFFF  }
0xc3: {  	_ =	task.clear_ibuf [dreg:s8], $0x2FFFF;
	_ =	strace $0x9FFFFFFF  }
0xc4: {  	(tm) =	ssettm $0x7FFFFFFF  }
0xc5: {  	_ =	shalt  }
tec
execute0_lowered:
.L_overlay_start_1:
0x0: {  	(tag) =	ssettag $0x1  }
0x1: {  	s1 =	rddreg [dreg:$0x0]  }
0x2: {  	s2 =	rddreg [dreg:$0x1]  }
0x3: {  	s8 =	rddreg [dreg:$0x2]  }
0x4: {  	s0 =	rddreg [dreg:$0x3];
	s4 =	simm.s32 $0x0;
	s5 =	srdreg.scid  }
0x5: {  	s3 =	stileid.u32;
	s12 =	simm.s32 $0x4000;
	s13 =	simm.s32 $0x6000  }
0x6: {  	s14 =	simm.s32 $0x8000;
	s15 =	simm.s32 $0x0;
	[smem:$0x7FF] =	sst s4  }
0x7: {  	s6 =	sand.u32 $0x1, s5;
	s9 =	sshll.u32 s3, $0x1;
	s5 =	sadd.s32 $0x200, s8  }
0x8: {  	_ =	strace $0x80000047;
	s7 =	ssub.s32 $0x2, s6;
	s9 =	sor.u32 s6, s9  }
0x9: {  	s6 =	sadd.s32 $0x20200, s8;
	s10 =	sshrl.u32 s7, $0x1;
	s11 =	sshll.u32 s9, $0x4  }
0xa: {  	s10 =	ssub.s32 s7, s10;
	s7 =	sshll.u32 s9, $0xC;
	s8 =	sadd.s32 s8, s11  }
0xb: {  	v0 =	vimm.s32 $0x0;
	s11 =	simm.s32 $0x2000;
	s9 =	smax.u32 s10, $0x1;
	s10 =	simm.s32 $0x1  }
.LBB2_1:
0xc: {  	v1 =	vimm.s32 $0x0;
	s16 =	simm.s32 $0x0  }
.LBB2_2:
0xd: {  	s17 =	sshll.u32 s16, $0xA  }
0xe: {  	s17 =	sadd.s32 s7, s17  }
0xf: {  	s19 =	simm.s32 $0x0;
	s18 =	sadd.s32 s1, s17  }
0x10: {  	[tilespmem:s19], [sflag:$0x1] =	stream.linear.gather [hbm4b:s18+s19], $0x2000, $0x38;
	[tilespmem:$0x8080] =	vst v63  }
0x11: {  	_ =	swait.ge [sflag:s10], $0x2000  }
0x12: {  	[sflag:s10] =	ssyncset.done $0x0  }
0x13: {  	s31 =	sadd.s32 s2, s17;
	[sflag:s10] =	ssyncadd.s32 $0xFFFFE000  }
0x14: {  	[tilespmem:s11], [sflag:$0x1] =	stream.linear.gather [hbm4b:s31+s19], $0x2000, $0x38;
	[tilespmem:$0x8080] =	vst v63  }
0x15: {  	_ =	swait.ge [sflag:s10], $0x2000  }
0x16: {  	[sflag:s10] =	ssyncset.done $0x0  }
0x17: {  	s18 =	simm.s32 $0x0;
	[sflag:s10] =	ssyncadd.s32 $0xFFFFE000  }
0x18: {  	v2 =	vld [tilespmem:s18+$0x2000]  }
0x19: {  	v3 =	vld [tilespmem:s18+$0x0]  }
0x1a: {  	s19 =	simm.s32 $0x40  }
.LBB2_3:
0x1b: {  	p0 =	sne.s32 s19, $0x7FC0  }
.Ltmp0:
0x1c: {  	_ = 	snop;
	(pc) =	sbr.rel @p0 .LBB2_3-.Ltmp0, $4  }
0x1d: {  	s20 =	sshra.s32 s19, $0x2;
	vm0 =	veq.s32 v2, $0x0  }
0x1e: {  	v2 =	vld [tilespmem:s20+$0x2000];
	v4 =	vnsel vm0, $0x7F800000, v3  }
0x1f: {  	v5 =	vsel vm0, $0x7F800000, v3;
	v6 =	vsel vm0, $0x1, v0;
	v3 =	vld [tilespmem:s20+$0x0];
	[tilespmem:s18+$0x4000] =	vst v4  }
0x20: {  	s19 =	sadd.s32 $0x40, s19;
	v1 =	vadd.s32 v6, v1;
	[tilespmem:s18+$0x6000] =	vst v5;
	s18 =	smov.u32 s20  }
0x21: {  	_ =	sdelay $0x1  }
0x22: {  	vm0 =	veq.s32 v2, $0x0  }
0x23: {  	v2 =	vnsel vm0, $0x7F800000, v3  }
0x24: {  	v3 =	vsel vm0, $0x7F800000, v3;
	[tilespmem:s18+$0x4000] =	vst v2  }
0x25: {  	s30 =	sadd.s32 s5, s17;
	[tilespmem:s18+$0x6000] =	vst v3  }
0x26: {  	[hbm4b:s30+s4] =	stream.linear.scatter [tilespmem:s12], [sflag:$0x1], $0x2000, $0x38;
	[tilespmem:$0x8080] =	vst v63  }
0x27: {  	s16 =	sadd.s32 $0x1, s16;
	_ =	swait.ge [sflag:s10], $0x2000  }
0x28: {  	p0 =	sne.s32 s16, $0x4;
	[sflag:s10] =	ssyncset.done $0x0  }
.Ltmp1:
0x29: {  	s31 =	sadd.s32 s6, s17;
	[sflag:s10] =	ssyncadd.s32 $0xFFFFE000;
	(pc) =	sbr.rel @p0 .LBB2_2-.Ltmp1, $4  }
0x2a: {  	[hbm4b:s31+s4] =	stream.linear.scatter [tilespmem:s13], [sflag:$0x1], $0x2000, $0x38;
	[tilespmem:$0x8080] =	vst v63  }
0x2b: {  	_ =	swait.ge [sflag:s10], $0x2000  }
0x2c: {  	v2 =	vsel vm0, $0x1, v0;
	[sflag:s10] =	ssyncset.done $0x0  }
0x2d: {  	v1 =	vadd.s32 v2, v1;
	[sflag:s10] =	ssyncadd.s32 $0xFFFFE000  }
0x2e: {  	s15 =	sadd.s32 $0x1, s15  }
0x2f: {  	p0 =	sne.s32 s15, s9  }
.Ltmp2:
0x30: {  	[tilespmem:$0x8000] =	vst v1;
	(pc) =	sbr.rel @p0 .LBB2_1-.Ltmp2, $4  }
0x31: {  	[hbm4b:s8+s4] =	stream.linear.scatter [tilespmem:s14], [sflag:$0x1], $0x80, $0x38;
	[tilespmem:$0x8080] =	vst v63  }
0x32: {  	_ =	swait.ge [sflag:s10], $0x80  }
0x33: {  	[sflag:s10] =	ssyncset.done $0x0  }
0x34: {  	[sflag:s10] =	ssyncadd.s32 $0xFFFFFF80  }
0x35: {  	_ =	sfence.sel $0x180000  }
0x36: {  	[bflag:$0x0] =	sbarrier.arrive $0xFFFF  }
0x37: {  	p0 =	sne.s32 s3, $0x0;
	_ =	strace $0x90000047  }
0x38: {  	s0 =	sadd.s32 @!p0 $0x100000, s0;
	[bflag:$0x2] =	sbarrier.arrive $0xFFFF  }
0x39: {  	[sflag:s0] =	ssyncadd.tile.s32 @!p0 $0x1;
	_ =	shalt  }
.Lfunc_end2:
_tile_overlayer_lowered:
.L_overlay_start_2:
0x3a: {  	(tag) =	ssettag $0x2  }
0x3b: {  	s0 =	rddreg [dreg:$0x0];
	s2 =	stileid.u32  }
0x3c: {  	s1 =	rddreg [dreg:$0x1];
	p0 =	sne.s32 s2, $0x0  }
0x3d: {  	s3 =	rddreg [dreg:$0x2];
	[bflag:$0x3] =	sbarrier.arrive $0xFFFF;
	s2 =	simm.s32 @!p0 $0x1C01  }
0x3e: {  	[timem:s3], [sflag:s2] =	dma.local @!p0 [hbm:s0], s1  }
0x3f: {  	s0 =	simm.s32 @!p0 $0x1  }
0x40: {  	_ =	swait.ge @!p0 [sflag:s0], s1  }
0x41: {  	s1 =	ssub.s32 @!p0 $0x0, s1;
	[sflag:s0] =	ssyncset.done @!p0 $0x0  }
0x42: {  	[sflag:s0] =	ssyncadd.s32 @!p0 s1  }
0x43: {  	[bflag:$0x3] =	sbarrier.arrive $0xFFFF  }
0x44: {  	_ =	shalt  }

// kernel: kernel.7.cloned.1.call-start
scs
__scs_entry_jumppad:
0x0: {  	(pc) =	sbr.rel $0x88, $3  }
0x1: {  	(tag) =	ssettag $0x0;
	lr =	simm.s32 $0x1  }
0x2: {  	[smem:$0x3F9D] =	sst lr;
	_ =	strace $0xD0000000  }
0x3: {  	_ = 	snop  }
0x4: {  	_ = 	snop  }
0x5: {  	_ = 	snop  }
0x6: {  	_ = 	snop  }
0x7: {  	_ = 	snop  }
__scs_overlays_trampoline_lowered:
0x8: {  	[smem:$0x3FAC] =	sst s0  }
0x9: {  	[smem:$0x3FAD] =	sst s1  }
0xa: {  	[smem:$0x3FAE] =	sst s2  }
0xb: {  	[smem:$0x3FAF] =	sst s3  }
0xc: {  	[smem:$0x3FB0] =	sst s4  }
0xd: {  	[smem:$0x3FB1] =	sst s5  }
0xe: {  	[smem:$0x3FB2] =	sst s6  }
0xf: {  	[smem:$0x3FB3] =	sst s7  }
0x10: {  	[smem:$0x3FB4] =	sst s8  }
0x11: {  	[smem:$0x3FB5] =	sst s9;
	s0 =	simm.s32 @!p0 $0x0  }
0x12: {  	s1 =	sld [smem:$0x3F9B];
	s0 =	simm.s32 @p0 $0x1  }
0x13: {  	[smem:$0x3FB6] =	sst s0;
	s0 =	simm.s32 @!p1 $0x0  }
0x14: {  	s2 =	sld [smem:$0x3F9A];
	s0 =	simm.s32 @p1 $0x1  }
0x15: {  	[smem:$0x3FB7] =	sst s0;
	s0 =	simm.s32 @!p2 $0x0  }
0x16: {  	s3 =	sld [smem:$0x3FDB];
	s0 =	simm.s32 @p2 $0x1  }
0x17: {  	s4 =	simm.s32 $0x1BF5;
	[smem:$0x3FB9] =	sst s0  }
0x18: {  	s0 =	sld [smem:$0x3F9C];
	_ =	swait.ge [sflag:s4], $0x0  }
0x19: {  	s7 =	sld [smem:$0x3F9D]  }
0x1a: {  	s8 =	sadd.s32 $0xFFFFE003, lr  }
0x1b: {  	s9 =	sadd.s32 $0xFFFFFEF7, lr;
	s5 =	simm.s32 $0xFFFFFFFF;
	p2 =	slt.u32 s8, $0xFFFFF086  }
0x1c: {  	p1 =	slt.u32 s9, $0xF7A;
	s5 =	simm.s32 @!p2 $0x0  }
0x1d: {  	s5 =	simm.s32 @p1 $0x1;
	p0 =	seq.s32 s7, s2  }
0x1e: {  	s7 =	smul.u32 @!p0 $0xF7A, s2;
	p2 =	seq.s32 @!p0 s5, $0x0  }
0x1f: {  	s9 =	smul.u32 $0xF7A, s1;
	s8 =	simm.s32 @!p0 $0x1BF5;
	p2 =	por !p2, p0  }
0x20: {  	[sflag:s8] =	ssyncset.s32 @!p0 $0xFFFFF086;
	s6 =	sadd.s32 @!p0 s3, s7;
	s7 =	simm.s32 @!p0 $0x108  }
0x21: {  	s3 =	sadd.s32 s3, s9;
	s6 =	sadd.s32 @!p0 $0x88, s6;
	s7 =	simm.s32 @p2 $0x1082  }
0x22: {  	[simem:s7], [sflag:s8] =	dma.local @!p0 [hbm:s6], $0xF7A  }
0x23: {  	s9 =	sor.u32 $0xD0000000, s2;
	s6 =	simm.s32 $0x108;
	_ =	swait.ge @!p0 [sflag:s8], $0x0  }
0x24: {  	s3 =	sadd.s32 $0x88, s3;
	s6 =	simm.s32 @!p1 $0x1082;
	[sflag:s4] =	ssyncset.s32 $0xFFFFF086  }
0x25: {  	[simem:s6], [sflag:s4] =	dma.local [hbm:s3], $0xF7A  }
0x26: {  	[smem:$0x3F9D] =	sst s1;
	(tag) =	ssettag s2;
	_ =	strace s9  }
0x27: {  	s1 =	sld [smem:$0x3FAD]  }
0x28: {  	s2 =	sld [smem:$0x3FAE]  }
0x29: {  	s4 =	sld [smem:$0x3FB0]  }
0x2a: {  	p0 =	seq.s32 s5, $0x0;
	s5 =	sld [smem:$0x3FB1]  }
0x2b: {  	s6 =	sld [smem:$0x3FB2]  }
0x2c: {  	s7 =	sld [smem:$0x3FB3]  }
0x2d: {  	s3 =	simm.s32 $0x108;
	s8 =	sld [smem:$0x3FB4]  }
0x2e: {  	s3 =	simm.s32 @!p0 $0x1082;
	s9 =	sld [smem:$0x3FB5]  }
0x2f: {  	lr =	sadd.s32 s0, s3;
	s0 =	sld [smem:$0x3FAC]  }
0x30: {  	s3 =	sld [smem:$0x3FAF]  }
0x31: {  	[smem:$0x3FB8] =	sst s10  }
0x32: {  	s10 =	sld [smem:$0x3FB6];
	_ =	sdelay $0x3  }
0x33: {  	p0 =	seq.s32 s10, $0x1;
	s10 =	sld [smem:$0x3FB8];
	_ =	sdelay $0x3  }
0x34: {  	[smem:$0x3FB8] =	sst s10  }
0x35: {  	s10 =	sld [smem:$0x3FB7];
	_ =	sdelay $0x3  }
0x36: {  	p1 =	seq.s32 s10, $0x1;
	s10 =	sld [smem:$0x3FB8];
	_ =	sdelay $0x3  }
0x37: {  	[smem:$0x3FB8] =	sst s10  }
0x38: {  	s10 =	sld [smem:$0x3FB9]  }
0x39: {  	_ = 	snop;
	(pc) =	sbr.ind lr, $3  }
0x3a: {  	_ = 	snop  }
0x3b: {  	_ = 	snop  }
0x3c: {  	p2 =	seq.s32 s10, $0x1;
	s10 =	sld [smem:$0x3FB8]  }
0x3d: {  	_ =	shalt  }
0x3e: {  	_ =	shalt  }
0x3f: {  	_ =	shalt  }
0x40: {  	_ =	shalt  }
0x41: {  	_ =	shalt  }
0x42: {  	_ =	shalt  }
0x43: {  	_ =	shalt  }
0x44: {  	_ =	shalt  }
0x45: {  	_ =	shalt  }
0x46: {  	_ =	shalt  }
0x47: {  	_ =	shalt  }
0x48: {  	_ =	shalt  }
0x49: {  	_ =	shalt  }
0x4a: {  	_ =	shalt  }
0x4b: {  	_ =	shalt  }
0x4c: {  	_ =	shalt  }
0x4d: {  	_ =	shalt  }
0x4e: {  	_ =	shalt  }
0x4f: {  	_ =	shalt  }
0x50: {  	_ =	shalt  }
0x51: {  	_ =	shalt  }
0x52: {  	_ =	shalt  }
0x53: {  	_ =	shalt  }
0x54: {  	_ =	shalt  }
0x55: {  	_ =	shalt  }
0x56: {  	_ =	shalt  }
0x57: {  	_ =	shalt  }
0x58: {  	_ =	shalt  }
0x59: {  	_ =	shalt  }
0x5a: {  	_ =	shalt  }
0x5b: {  	_ =	shalt  }
0x5c: {  	_ =	shalt  }
0x5d: {  	_ =	shalt  }
0x5e: {  	_ =	shalt  }
0x5f: {  	_ =	shalt  }
0x60: {  	_ =	shalt  }
0x61: {  	_ =	shalt  }
0x62: {  	_ =	shalt  }
0x63: {  	_ =	shalt  }
0x64: {  	_ =	shalt  }
0x65: {  	_ =	shalt  }
0x66: {  	_ =	shalt  }
0x67: {  	_ =	shalt  }
0x68: {  	_ =	shalt  }
0x69: {  	_ =	shalt  }
0x6a: {  	_ =	shalt  }
0x6b: {  	_ =	shalt  }
0x6c: {  	_ =	shalt  }
0x6d: {  	_ =	shalt  }
0x6e: {  	_ =	shalt  }
0x6f: {  	_ =	shalt  }
0x70: {  	_ =	shalt  }
0x71: {  	_ =	shalt  }
0x72: {  	_ =	shalt  }
0x73: {  	_ =	shalt  }
0x74: {  	_ =	shalt  }
0x75: {  	_ =	shalt  }
0x76: {  	_ =	shalt  }
0x77: {  	_ =	shalt  }
0x78: {  	_ =	shalt  }
0x79: {  	_ =	shalt  }
0x7a: {  	_ =	shalt  }
0x7b: {  	_ =	shalt  }
0x7c: {  	_ =	shalt  }
0x7d: {  	_ =	shalt  }
0x7e: {  	_ =	shalt  }
0x7f: {  	_ =	shalt  }
0x80: {  	_ =	shalt  }
0x81: {  	_ =	shalt  }
0x82: {  	_ =	shalt  }
0x83: {  	_ =	shalt  }
0x84: {  	_ =	shalt  }
0x85: {  	_ =	shalt  }
0x86: {  	_ =	shalt  }
0x87: {  	_ =	shalt  }
.Lfunc_end0:
.L_simem_size_0:
called_computation.5_lowered:
.L_overlay_start_0:
0x88: {  	s2 =	sld [smem:$0x3FD9]  }
0x89: {  	s3 =	sld [smem:$0x3FFE];
	_ =	sdelay $0x1  }
0x8a: {  	s1 =	srdreg.scid  }
0x8b: {  	s0 =	sand.u32 $0x1, s1  }
0x8c: {  	s14 =	sshll.u32 s0, $0xA;
	s2 =	sadd.s32 s3, s2  }
0x8d: {  	s2 =	sadd.s32 s2, s14  }
0x8e: {  	[smem:$0x3FC4] =	sst s2  }
0x8f: {  	_ = 	snop  }
0x90: {  	s2 =	sld [smem:$0x3FD0];
	_ =	sdelay $0x2  }
0x91: {  	s15 =	simm.s32 $0xD;
	s4 =	simm.s32 $0x10  }
0x92: {  	[smem:s4], [sflag:s15] =	dma.local [hbm:s2], $0x1  }
0x93: {  	_ =	swait.eq [sflag:s15], $0x1  }
0x94: {  	s16 =	sld [smem:$0x10]  }
0x95: {  	s17 =	sld [smem:$0x11];
	[sflag:s15] =	ssyncset.done $0x0  }
0x96: {  	s5 =	sld [smem:$0x12];
	[sflag:s15] =	ssyncadd.s32 $0xFFFFFFFF  }
0x97: {  	s18 =	sld [smem:$0x13];
	(tm) =	ssettm $0x1  }
0x98: {  	s6 =	sld [smem:$0x3FFB];
	_ =	sdelay $0x3  }
0x99: {  	_ =	strace s6  }
0x9a: {  	s6 =	sld [smem:$0x3FFC];
	_ =	sdelay $0x3  }
0x9b: {  	_ =	strace s6  }
0x9c: {  	s6 =	sld [smem:$0x3FFD];
	_ =	sdelay $0x3  }
0x9d: {  	_ =	strace s6  }
0x9e: {  	_ =	strace $0x8FFFFFFF  }
0x9f: {  	s19 =	sld [smem:$0x3FDB];
	_ =	sdelay $0x1  }
0xa0: {  	s7 =	simm.s32 $_scs_section_size  }
0xa1: {  	s8 =	simm.s32 $_size__tile_overlayer_lowered;
	s9 =	simm.s32 $_tile_overlayer_lowered  }
0xa2: {  	s22 =	simm.s32 $0x1BFF;
	s21 =	sshll.u32 s9, $0x1;
	s6 =	sadd.s32 s7, s19  }
0xa3: {  	s10 =	simm.s32 $0x0;
	s20 =	sshll.u32 s8, $0x1;
	s8 =	sadd.s32 s21, s6  }
0xa4: {  	[timem:s10], [sflag:s22] =	dma.local [hbm:s8], s20  }
0xa5: {  	_ =	swait.ge [sflag:s22], s20  }
0xa6: {  	s7 =	ssub.s32 $0x0, s20;
	[sflag:s22] =	ssyncset.done $0x0  }
0xa7: {  	[sflag:s22] =	ssyncadd.s32 s7;
	_ =	sdelay $0x1  }
0xa8: {  	s23 =	simm.s32 $0x1B8B  }
0xa9: {  	_ =	swait.ge [sflag:s23], $0x1  }
0xaa: {  	[sflag:s23] =	ssyncset.done $0x0  }
0xab: {  	s25 =	simm.s32 $0x1B8E;
	s24 =	sld [smem:$0x3FFE];
	[sflag:s23] =	ssyncadd.s32 $0xFFFFFFFF  }
0xac: {  	s26 =	simm.s32 $execute0_lowered;
	[smem:$0x3FD2] =	sst s25  }
0xad: {  	s8 =	sshll.u32 s26, $0x1;
	_ =	strace $0x80000055;
	[dreg:$0x1] =	wrdreg $0xFFFFFFFF  }
0xae: {  	s28 =	simm.s32 $_size_execute0_lowered;
	s6 =	sadd.s32 s6, s8;
	[dreg:$0x0] =	wrdreg $0x0  }
0xaf: {  	s8 =	sshll.u32 s28, $0x1;
	[dreg:$0x2] =	wrdreg s6  }
0xb0: {  	[dreg:$0x3] =	wrdreg s8  }
0xb1: {  	[dreg:$0x4] =	wrdreg $0xC0  }
0xb2: {  	_ =	task [dreg:s10], $0x5FFFF  }
0xb3: {  	[dreg:$0x1] =	wrdreg $0xFFFFFFFF  }
0xb4: {  	[dreg:$0x0] =	wrdreg $0x60  }
0xb5: {  	[dreg:$0x2] =	wrdreg s24  }
0xb6: {  	[dreg:$0x3] =	wrdreg s18  }
0xb7: {  	[dreg:$0x4] =	wrdreg s5  }
0xb8: {  	[dreg:$0x5] =	wrdreg s17  }
0xb9: {  	[dreg:$0x6] =	wrdreg s16  }
0xba: {  	[dreg:$0x7] =	wrdreg $0x9  }
0xbb: {  	_ =	task.clear_ibuf [dreg:s10], $0x8FFFF;
	_ =	strace $0x90000055  }
0xbc: {  	s29 =	simm.s32 $0x9;
	_ =	strace $0x80000057  }
0xbd: {  	_ =	swait.ge [sflag:s29], $0x1  }
0xbe: {  	[sflag:s29] =	ssyncadd.s32 $0xFFFFFFFF  }
0xbf: {  	_ =	strace $0x90000057  }
0xc0: {  	_ =	sfence  }
0xc1: {  	s30 =	sld [smem:$0x0];
	_ =	sdelay $0x2  }
0xc2: {  	s31 =	sshll.u32 s1, $0xD;
	s1 =	sshrl.u32 s1, $0x2  }
0xc3: {  	s3 =	sand.u32 $0x4000, s31;
	s1 =	sadd.s32 s1, s30  }
0xc4: {  	s0 =	sor.u32 s3, s0;
	s1 =	sshll.u32 s1, $0x11  }
0xc5: {  	s0 =	sor.u32 s1, s0  }
0xc6: {  	s0 =	sadd.s32 $0x8F2B, s0  }
0xc7: {  	[sflag:s0] =	ssyncadd.remote.s32 $0x1  }
0xc8: {  	_ =	sfence.sel $0xFFFF  }
0xc9: {  	[dreg:$0x0] =	wrdreg $0xFFFFFFFF;
	(pc) =	sbr.abs _section_cstart, $3  }
0xca: {  	[dreg:$0x1] =	wrdreg $0xFFFFFFFF  }
0xcb: {  	_ =	task.clear_ibuf [dreg:s10], $0x2FFFF;
	_ =	strace $0x9FFFFFFF  }
0xcc: {  	(tm) =	ssettm $0x7FFFFFFF  }
0xcd: {  	_ =	shalt  }
tec
execute0_lowered:
.L_overlay_start_1:
0x0: {  	(tag) =	ssettag $0x1  }
0x1: {  	s1 =	rddreg [dreg:$0x0]  }
0x2: {  	s2 =	rddreg [dreg:$0x1]  }
0x3: {  	s3 =	rddreg [dreg:$0x2]  }
0x4: {  	s4 =	rddreg [dreg:$0x3]  }
0x5: {  	s5 =	rddreg [dreg:$0x4];
	s7 =	simm.s32 $0x0  }
0x6: {  	s0 =	srdreg.scid;
	s16 =	stileid.u32;
	s17 =	simm.s32 $0x1  }
0x7: {  	s18 =	simm.s32 $0x8080;
	s19 =	simm.s32 $0x8100;
	s20 =	simm.s32 $0x8180  }
0x8: {  	s21 =	simm.s32 $0x8200;
	s22 =	simm.s32 $0x2000;
	s23 =	simm.s32 $0x4000  }
0x9: {  	s24 =	simm.s32 $0x6000;
	s25 =	simm.s32 $0x8280;
	s26 =	simm.s32 $0x0  }
0xa: {  	[smem:$0x7FF] =	sst s7;
	s0 =	sand.u32 $0x1, s0;
	s6 =	sshll.u32 s16, $0x1  }
0xb: {  	s8 =	sadd.s32 $0xE0200, s1;
	s9 =	sadd.s32 $0x20000, s1;
	s10 =	sadd.s32 $0x120200, s1  }
0xc: {  	s11 =	sadd.s32 $0x100200, s1;
	s31 =	sshll.u32 s16, $0x10;
	s16 =	simm.s32 $0x8000  }
0xd: {  	_ =	strace $0x80000056;
	s6 =	sor.u32 s0, s6;
	s13 =	ssub.s32 $0x2, s0  }
0xe: {  	s0 =	sshll.u32 s0, $0xF;
	s12 =	sshll.u32 s6, $0x4;
	s30 =	sshrl.u32 s13, $0x1  }
0xf: {  	s14 =	sadd.s32 s12, s1;
	s15 =	ssub.s32 s13, s30;
	s12 =	sshll.u32 s6, $0xF  }
0x10: {  	v0 =	vlaneseq.u32;
	s13 =	sadd.s32 $0x100400, s14;
	s14 =	smax.u32 s15, $0x1;
	s15 =	sor.u32 s0, s31  }
.LBB2_1:
0x11: {  	[tilespmem:s16], [sflag:$0x1] =	stream.linear.gather [hbm4b:s2+s7], $0x80, $0x38;
	[tilespmem:$0x8300] =	vst v63  }
0x12: {  	_ =	swait.ge [sflag:s17], $0x80  }
0x13: {  	[sflag:s17] =	ssyncset.done $0x0  }
0x14: {  	[sflag:s17] =	ssyncadd.s32 $0xFFFFFF80  }
0x15: {  	[tilespmem:s18], [sflag:$0x1] =	stream.linear.gather [hbm4b:s3+s7], $0x80, $0x38;
	[tilespmem:$0x8300] =	vst v63  }
0x16: {  	_ =	swait.ge [sflag:s17], $0x80  }
0x17: {  	[sflag:s17] =	ssyncset.done $0x0  }
0x18: {  	[sflag:s17] =	ssyncadd.s32 $0xFFFFFF80  }
0x19: {  	[tilespmem:s19], [sflag:$0x1] =	stream.linear.gather [hbm4b:s4+s7], $0x80, $0x38;
	[tilespmem:$0x8300] =	vst v63  }
0x1a: {  	_ =	swait.ge [sflag:s17], $0x80  }
0x1b: {  	[sflag:s17] =	ssyncset.done $0x0  }
0x1c: {  	[sflag:s17] =	ssyncadd.s32 $0xFFFFFF80  }
0x1d: {  	[tilespmem:s20], [sflag:$0x1] =	stream.linear.gather [hbm4b:s5+s7], $0x80, $0x38;
	[tilespmem:$0x8300] =	vst v63  }
0x1e: {  	_ =	swait.ge [sflag:s17], $0x80  }
0x1f: {  	[sflag:s17] =	ssyncset.done $0x0  }
0x20: {  	[sflag:s17] =	ssyncadd.s32 $0xFFFFFF80  }
0x21: {  	[tilespmem:s21], [sflag:$0x1] =	stream.linear.gather [hbm4b:s11+s7], $0x80, $0x38;
	[tilespmem:$0x8300] =	vst v63  }
0x22: {  	_ =	swait.ge [sflag:s17], $0x80  }
0x23: {  	[sflag:s17] =	ssyncset.done $0x0  }
0x24: {  	[sflag:s17] =	ssyncadd.s32 $0xFFFFFF80  }
0x25: {  	v5 =	vld [tilespmem:$0x8200]  }
0x26: {  	v2 =	vld [tilespmem:$0x8080]  }
0x27: {  	v1 =	vld [tilespmem:$0x8000]  }
0x28: {  	v3 =	vld [tilespmem:$0x8100]  }
0x29: {  	v6 =	vimm.f32 $0.0e+00;
	s28 =	smov.u32 s15;
	s29 =	simm.s32 $0x0;
	v4 =	vld [tilespmem:$0x8180]  }
.LBB2_2:
0x2a: {  	s0 =	sshll.u32 s29, $0xD  }
0x2b: {  	s0 =	sadd.s32 s12, s0  }
0x2c: {  	s0 =	sshrl.u32 s0, $0x3  }
0x2d: {  	s30 =	simm.s32 $0x0;
	s6 =	sadd.s32 s1, s0  }
0x2e: {  	[tilespmem:s30], [sflag:$0x1] =	stream.linear.gather [hbm4b:s6+s30], $0x2000, $0x38;
	[tilespmem:$0x8300] =	vst v63  }
0x2f: {  	_ =	swait.ge [sflag:s17], $0x2000  }
0x30: {  	[sflag:s17] =	ssyncset.done $0x0  }
0x31: {  	s6 =	sadd.s32 s8, s0;
	[sflag:s17] =	ssyncadd.s32 $0xFFFFE000  }
0x32: {  	[tilespmem:s22], [sflag:$0x1] =	stream.linear.gather [hbm4b:s6+s30], $0x2000, $0x38;
	[tilespmem:$0x8300] =	vst v63  }
0x33: {  	v7 =	vor.u32 s28, v0;
	_ =	swait.ge [sflag:s17], $0x2000  }
0x34: {  	v8 =	vcvt.s32.f32 v7;
	[sflag:s17] =	ssyncset.done $0x0  }
0x35: {  	s6 =	sadd.s32 s9, s0;
	[sflag:s17] =	ssyncadd.s32 $0xFFFFE000  }
0x36: {  	v9 =	vmul.f32 v8, v1;
	[tilespmem:s23], [sflag:$0x1] =	stream.linear.gather [hbm4b:s6+s30], $0x2000, $0x38;
	[tilespmem:$0x8300] =	vst v63  }
0x37: {  	v12 =	vmul.f32 v8, v2;
	_ =	swait.ge [sflag:s17], $0x2000  }
0x38: {  	v8 =	vtrunc.f32 v9;
	[sflag:s17] =	ssyncset.done $0x0  }
0x39: {  	v10 =	vtrunc.f32 v12;
	v11 =	vcvt.f32.s32 v8;
	s0 =	sadd.s32 s10, s0;
	[sflag:s17] =	ssyncadd.s32 $0xFFFFE000  }
0x3a: {  	v10 =	vcvt.f32.s32 v10;
	[tilespmem:s24], [sflag:$0x1] =	stream.linear.gather [hbm4b:s0+s30], $0x2000, $0x38;
	[tilespmem:$0x8300] =	vst v63  }
0x3b: {  	vm0 =	vgt.s32 v11, $0x0;
	_ =	swait.ge [sflag:s17], $0x2000  }
0x3c: {  	vm1 =	vgt.s32 v10, $0x0;
	v11 =	vnsel vm0, $0x0, v11;
	[sflag:s17] =	ssyncset.done $0x0  }
0x3d: {  	v14 =	vnsel vm1, $0x0, v10;
	vm0 =	vlt.s32 v11, v3;
	s6 =	simm.s32 $0x0;
	s0 =	sadd.s32 $0x10, s28;
	[sflag:s17] =	ssyncadd.s32 $0xFFFFE000  }
0x3e: {  	vm1 =	vlt.s32 v14, v4;
	v11 =	vsel vm0, v11, v3;
	v8 =	vor.u32 s0, v0;
	v15 =	vld [tilespmem:s6+$0x0]  }
0x3f: {  	v14 =	vsel vm1, v14, v4;
	v17 =	vcvt.s32.f32 v11;
	v13 =	vcvt.s32.f32 v8;
	v16 =	vld [tilespmem:s6+$0x2000]  }
0x40: {  	v14 =	vcvt.s32.f32 v14;
	v18 =	vld [tilespmem:s6+$0x6000]  }
0x41: {  	v17 =	vsub.f32 v9, v17;
	v10 =	vmul.f32 v13, v1;
	v11 =	vmul.f32 v13, v2;
	v13 =	vld [tilespmem:s6+$0x4000]  }
0x42: {  	v12 =	vsub.f32 v12, v14  }
0x43: {  	v20 =	vsub.f32 $1.000000000e+00, v17;
	v19 =	vtrunc.f32 v10;
	v9 =	vtrunc.f32 v11  }
0x44: {  	v21 =	vsub.f32 $1.000000000e+00, v12;
	s30 =	sadd.s32 $0x10, s0;
	v14 =	vcvt.f32.s32 v19;
	v19 =	vcvt.f32.s32 v9  }
0x45: {  	v9 =	vor.u32 s30, v0;
	v17 =	vmul.f32 v16, v17;
	v12 =	vmul.f32 v18, v12  }
0x46: {  	vm12 =	vgt.s32 v14, $0x0;
	v15 =	vmul.f32 v15, v20;
	v13 =	vmul.f32 v13, v21  }
0x47: {  	v16 =	vcvt.s32.f32 v9;
	vm13 =	vgt.s32 v19, $0x0;
	v14 =	vnsel vm12, $0x0, v14  }
0x48: {  	s6 =	simm.s32 $0x10;
	v18 =	vnsel vm13, $0x0, v19;
	v15 =	vadd.f32 v17, v15;
	v19 =	vadd.f32 v12, v13  }
0x49: {  	v13 =	vmul.f32 v16, v1;
	vm14 =	vlt.s32 v14, v3;
	vm15 =	vlt.s32 v18, v4;
	v12 =	vld [tilespmem:s6+$0x0]  }
0x4a: {  	s31 =	simm.s32 $0x80;
	s0 =	simm.s32 $0xC0;
	v17 =	vsel vm14, v14, v3;
	v18 =	vsel vm15, v18, v4;
	v14 =	vld [tilespmem:s6+$0x2000];
	v15 =	vsub.f32 v15, v19  }
.LBB2_3:
0x4b: {  	p0 =	sne.s32 s0, $0x7FC0;
	v17 =	vcvt.s32.f32 v17;
	v18 =	vcvt.s32.f32 v18;
	v19 =	vld [tilespmem:s6+$0x6000];
	vm0 =	vlt.s32 v7, v5;
	v7 =	vmovc v8;
	v8 =	vmovc v9  }
0x4c: {  	v9 =	vmul.f32 v16, v2;
	v16 =	vtrunc.f32 v13;
	v20 =	vld [tilespmem:s6+$0x4000];
	v15 =	vand.u32 $0x7FFFFFFF, v15  }
0x4d: {  	v17 =	vsub.f32 v10, v17;
	v18 =	vsub.f32 v11, v18;
	v21 =	vnsel vm0, $0x0, v15;
	v10 =	vmovc v13  }
0x4e: {  	v13 =	vcvt.f32.s32 v16;
	v15 =	vtrunc.f32 v9;
	v11 =	vmovc v9;
	v6 =	vadd.f32 v21, v6  }
0x4f: {  	s30 =	sadd.s32 $0x10, s30;
	v15 =	vcvt.f32.s32 v15;
	v16 =	vsub.f32 $1.000000000e+00, v17;
	v21 =	vsub.f32 $1.000000000e+00, v18  }
0x50: {  	v9 =	vor.u32 s30, v0;
	v14 =	vmul.f32 v14, v17;
	v17 =	vmul.f32 v19, v18  }
.Ltmp0:
0x51: {  	vm0 =	vgt.s32 v13, $0x0;
	v12 =	vmul.f32 v12, v16;
	v18 =	vmul.f32 v20, v21;
	(pc) =	sbr.rel @p0 .LBB2_3-.Ltmp0, $4  }
0x52: {  	v19 =	vnsel vm0, $0x0, v13;
	vm0 =	vgt.s32 v15, $0x0;
	v16 =	vcvt.s32.f32 v9  }
0x53: {  	s6 =	sshra.s32 s31, $0x2;
	s31 =	smov.u32 s0;
	v15 =	vnsel vm0, $0x0, v15;
	v20 =	vadd.f32 v14, v12;
	v21 =	vadd.f32 v17, v18  }
0x54: {  	vm0 =	vlt.s32 v19, v3;
	vm1 =	vlt.s32 v15, v4;
	v13 =	vmul.f32 v16, v1;
	v12 =	vld [tilespmem:s6+$0x0]  }
0x55: {  	s0 =	sadd.s32 $0x40, s0;
	v17 =	vsel vm0, v19, v3;
	v18 =	vsel vm1, v15, v4;
	v14 =	vld [tilespmem:s6+$0x2000];
	v15 =	vsub.f32 v20, v21  }
0x56: {  	v16 =	vmul.f32 v16, v2;
	_ =	sdelay $0x1  }
0x57: {  	v19 =	vtrunc.f32 v13;
	v20 =	vtrunc.f32 v16  }
0x58: {  	v19 =	vcvt.f32.s32 v19;
	v20 =	vcvt.f32.s32 v20  }
0x59: {  	v17 =	vcvt.s32.f32 v17  }
0x5a: {  	v18 =	vcvt.s32.f32 v18;
	v21 =	vld [tilespmem:s6+$0x6000];
	vm0 =	vgt.s32 v19, $0x0;
	vm1 =	vgt.s32 v20, $0x0  }
0x5b: {  	v22 =	vld [tilespmem:s6+$0x4000];
	s0 =	sshra.s32 s31, $0x2;
	v10 =	vsub.f32 v10, v17;
	v51 =	vnsel vm0, $0x0, v19;
	v52 =	vnsel vm1, $0x0, v20  }
0x5c: {  	v53 =	vld [tilespmem:s0+$0x0];
	v11 =	vsub.f32 v11, v18;
	vm0 =	vlt.s32 v51, v3;
	vm1 =	vlt.s32 v52, v4  }
0x5d: {  	v23 =	vld [tilespmem:s0+$0x2000];
	v54 =	vsub.f32 $1.000000000e+00, v10;
	v17 =	vsel vm0, v51, v3;
	v19 =	vsel vm1, v52, v4  }
0x5e: {  	v24 =	vld [tilespmem:s0+$0x6000];
	v17 =	vcvt.s32.f32 v17;
	v19 =	vcvt.s32.f32 v19  }
0x5f: {  	v56 =	vld [tilespmem:s0+$0x4000];
	v10 =	vmul.f32 v14, v10;
	v55 =	vsub.f32 $1.000000000e+00, v11;
	v12 =	vmul.f32 v12, v54  }
0x60: {  	v57 =	vsub.f32 v13, v17;
	v16 =	vsub.f32 v16, v19  }
0x61: {  	v11 =	vmul.f32 v21, v11;
	v14 =	vmul.f32 v22, v55;
	v10 =	vadd.f32 v10, v12  }
0x62: {  	v58 =	vsub.f32 $1.000000000e+00, v57;
	v59 =	vsub.f32 $1.000000000e+00, v16  }
0x63: {  	v11 =	vadd.f32 v11, v14;
	v13 =	vmul.f32 v23, v57;
	v60 =	vmul.f32 v24, v16  }
0x64: {  	v12 =	vmul.f32 v53, v58;
	v61 =	vmul.f32 v56, v59  }
0x65: {  	vm13 =	vlt.s32 v7, v5;
	v10 =	vsub.f32 v10, v11  }
0x66: {  	s29 =	sadd.s32 $0x1, s29;
	v7 =	vand.u32 $0x7FFFFFFF, v15;
	v62 =	vadd.f32 v13, v12;
	v63 =	vadd.f32 v60, v61  }
0x67: {  	vm14 =	vlt.s32 v8, v5;
	p0 =	sne.s32 s29, $0x4;
	v7 =	vnsel vm13, $0x0, v7  }
.Ltmp1:
0x68: {  	v6 =	vadd.f32 v7, v6;
	v7 =	vand.u32 $0x7FFFFFFF, v10;
	v8 =	vsub.f32 v62, v63;
	(pc) =	sbr.rel @p0 .LBB2_2-.Ltmp1, $4  }
0x69: {  	v7 =	vnsel vm14, $0x0, v7  }
0x6a: {  	vm15 =	vlt.s32 v9, v5;
	v6 =	vadd.f32 v7, v6;
	v7 =	vand.u32 $0x7FFFFFFF, v8  }
0x6b: {  	v7 =	vnsel vm15, $0x0, v7  }
0x6c: {  	s28 =	sadd.s32 $0x2000, s28;
	v6 =	vadd.f32 v7, v6  }
0x6d: {  	s26 =	sadd.s32 $0x1, s26  }
0x6e: {  	p0 =	sne.s32 s26, s14  }
.Ltmp2:
0x6f: {  	[tilespmem:$0x8280] =	vst v6;
	(pc) =	sbr.rel @p0 .LBB2_1-.Ltmp2, $4  }
0x70: {  	[hbm4b:s13+s7] =	stream.linear.scatter [tilespmem:s25], [sflag:$0x1], $0x80, $0x38;
	[tilespmem:$0x8300] =	vst v63  }
0x71: {  	_ =	swait.ge [sflag:s17], $0x80  }
0x72: {  	[sflag:s17] =	ssyncset.done $0x0  }
0x73: {  	[sflag:s17] =	ssyncadd.s32 $0xFFFFFF80  }
0x74: {  	_ =	sfence.sel $0x180000  }
0x75: {  	[bflag:$0x0] =	sbarrier.arrive $0xFFFF  }
0x76: {  	_ =	strace $0x90000056  }
0x77: {  	s0 =	stileid.u32;
	[bflag:$0x2] =	sbarrier.arrive $0xFFFF  }
0x78: {  	p0 =	sne.s32 s0, $0x0;
	s0 =	rddreg [dreg:$0x5]  }
0x79: {  	s0 =	sadd.s32 @!p0 $0x100000, s0  }
0x7a: {  	[sflag:s0] =	ssyncadd.tile.s32 @!p0 $0x1;
	_ =	shalt  }
.Lfunc_end2:
_tile_overlayer_lowered:
.L_overlay_start_2:
0x7b: {  	(tag) =	ssettag $0x2  }
0x7c: {  	s0 =	rddreg [dreg:$0x0];
	s2 =	stileid.u32  }
0x7d: {  	s1 =	rddreg [dreg:$0x1];
	p0 =	sne.s32 s2, $0x0  }
0x7e: {  	s3 =	rddreg [dreg:$0x2];
	[bflag:$0x3] =	sbarrier.arrive $0xFFFF;
	s2 =	simm.s32 @!p0 $0x1C01  }
0x7f: {  	[timem:s3], [sflag:s2] =	dma.local @!p0 [hbm:s0], s1  }
0x80: {  	s0 =	simm.s32 @!p0 $0x1  }
0x81: {  	_ =	swait.ge @!p0 [sflag:s0], s1  }
0x82: {  	s1 =	ssub.s32 @!p0 $0x0, s1;
	[sflag:s0] =	ssyncset.done @!p0 $0x0  }
0x83: {  	[sflag:s0] =	ssyncadd.s32 @!p0 s1  }
0x84: {  	[bflag:$0x3] =	sbarrier.arrive $0xFFFF  }
0x85: {  	_ =	shalt  }

</sc_bundles>
